<compile_context>
chip_gen: v7x
topology: tpu7x:2x2x1
jax: 0.10.2.dev20260603
libtpu: 0.0.44.dev20260713+nightly
codegen_flags: <defaults>
</compile_context>

<pallas_src>
import jax
import jax.numpy as jnp
from jax import lax
from jax.experimental import pallas as pl
from jax.experimental.pallas import tpu as pltpu
from jax.experimental.pallas import tpu_sc as plsc

_N = 10000
_NP = 10112
_E = 320000
_D = 64
_W = 80
_CH = 128
_NC, _NS = 2, 16
_NW = _NC * _NS
_NCHUNK = _E // _CH
_CPT = _NCHUNK // _NW
_XTRA = _NCHUNK - _CPT * _NW
_RPT = _NP // _NS


def _sc_agg_body(table_h, src_h, dst_h, acc_h,
                 src_v, dst_v, rows_v, acc_sh, sem):
    cid = lax.axis_index("c")
    sid = lax.axis_index("s")
    w = cid * _NS + sid

    lanes = _W // 16

    def _fill_zero(i, c):
        rows_v[i // lanes, pl.ds((i % lanes) * 16, 16)] = (
            jnp.zeros((16,), jnp.float32))
        return c
    lax.fori_loop(0, _CH * lanes, _fill_zero, 0, unroll=5)

    r0 = sid * _RPT
    for k in range(_RPT // _CH):
        pltpu.sync_copy(rows_v, acc_sh.at[pl.ds(r0 + k * _CH, _CH)])
    rem = _RPT - (_RPT // _CH) * _CH
    if rem:
        pltpu.sync_copy(rows_v.at[pl.ds(0, rem)],
                        acc_sh.at[pl.ds(r0 + (_RPT // _CH) * _CH, rem)])

    base = w * _CPT
    pltpu.sync_copy(src_h.at[pl.ds(base, _CPT)], src_v.at[pl.ds(0, _CPT)])
    pltpu.sync_copy(dst_h.at[pl.ds(base, _CPT)], dst_v.at[pl.ds(0, _CPT)])

    @pl.when(w < _XTRA)
    def _():
        x = _NW * _CPT + w
        pltpu.sync_copy(src_h.at[pl.ds(x, 1)], src_v.at[pl.ds(_CPT, 1)])
        pltpu.sync_copy(dst_h.at[pl.ds(x, 1)], dst_v.at[pl.ds(_CPT, 1)])

    plsc.subcore_barrier()

    def _chunk(j, c):
        pltpu.async_copy(table_h.at[src_v.at[j]], rows_v, sem).wait()
        pltpu.sync_copy(rows_v, acc_sh.at[dst_v.at[j]], add=True)
        return c

    lax.fori_loop(0, _CPT, _chunk, 0)

    @pl.when(w < _XTRA)
    def _():
        _chunk(_CPT, 0)

    plsc.subcore_barrier()
    pltpu.sync_copy(acc_sh.at[pl.ds(r0, _RPT)], acc_h.at[cid, pl.ds(r0, _RPT)])


@jax.jit
def _sc_agg(table, src3d, dst3d):
    mesh = plsc.VectorSubcoreMesh(core_axis_name="c", subcore_axis_name="s")
    f = pl.kernel(
        _sc_agg_body,
        out_type=jax.ShapeDtypeStruct((_NC, _NP, _W), jnp.float32),
        mesh=mesh,
        compiler_params=pltpu.CompilerParams(needs_layout_passes=False, use_tc_tiling_on_sc=False),
        scratch_types=[
            pltpu.VMEM((_CPT + 1, _CH), jnp.int32),
            pltpu.VMEM((_CPT + 1, _CH), jnp.int32),
            pltpu.VMEM((_CH, _W), jnp.float32),
            pltpu.VMEM_SHARED((_NP, _W), jnp.float32),
            pltpu.SemaphoreType.DMA,
        ],
    )
    return f(table, src3d, dst3d)


def _chunked(edge_index):
    return (edge_index[0].reshape(_NCHUNK, _CH),
            edge_index[1].reshape(_NCHUNK, _CH))


def _tag(y):
    rows = y.shape[0]
    return jnp.concatenate(
        [y, jnp.ones((rows, 1), jnp.float32),
         jnp.zeros((rows, _W - _D - 1), jnp.float32)], axis=1)


def _mm1_body(x_ref, w_ref, xn_ref, xr_ref):
    y = jnp.dot(x_ref[...], w_ref[...], preferred_element_type=jnp.float32)
    xn_ref[...] = _tag(y[:, :_D])
    xr_ref[...] = y[:, _D:]


def _mean(acc_ref):
    s = acc_ref[0] + acc_ref[1]
    return s[:, :_D] / jnp.maximum(s[:, _D:_D + 1], 1.0)


def _h_body(xr_ref, acc_ref, b1_ref, h_ref):
    h = jnp.maximum(xr_ref[...] + _mean(acc_ref) + b1_ref[...], 0.0)
    h_ref[...] = _tag(h)


def _out_body(h_ref, acc_ref, w_ref, b2_ref, o_ref):
    cat = jnp.concatenate([h_ref[:, :_D], _mean(acc_ref)], axis=1)
    o_ref[...] = (
        jnp.dot(cat, w_ref[...], preferred_element_type=jnp.float32)
        + b2_ref[...]
    )


_BLK = 1000


@jax.jit
def kernel(x, edge_index_l1, edge_index_l2,
           W1_root, W1_neigh, b1, W2_root, W2_neigh, b2):
    n, d_in = x.shape
    d_h = W1_root.shape[1]
    d_out = W2_root.shape[1]
    grid = n // _BLK

    w1 = jnp.concatenate([W1_neigh, W1_root], axis=1)
    xn, xr = pl.pallas_call(
        _mm1_body,
        grid=(grid,),
        in_specs=[
            pl.BlockSpec((_BLK, d_in), lambda i: (i, 0)),
            pl.BlockSpec((d_in, 2 * d_h), lambda i: (0, 0)),
        ],
        out_specs=[
            pl.BlockSpec((_BLK, _W), lambda i: (i, 0)),
            pl.BlockSpec((_BLK, d_h), lambda i: (i, 0)),
        ],
        out_shape=[
            jax.ShapeDtypeStruct((_NP, _W), jnp.float32),
            jax.ShapeDtypeStruct((n, d_h), jnp.float32),
        ],
    )(x, w1)

    src1, dst1 = _chunked(edge_index_l1)
    acc1 = _sc_agg(xn, src1, dst1)

    h = pl.pallas_call(
        _h_body,
        grid=(grid,),
        in_specs=[
            pl.BlockSpec((_BLK, d_h), lambda i: (i, 0)),
            pl.BlockSpec((_NC, _BLK, _W), lambda i: (0, i, 0)),
            pl.BlockSpec((1, d_h), lambda i: (0, 0)),
        ],
        out_specs=pl.BlockSpec((_BLK, _W), lambda i: (i, 0)),
        out_shape=jax.ShapeDtypeStruct((_NP, _W), jnp.float32),
    )(xr, acc1, b1.reshape(1, d_h))

    src2, dst2 = _chunked(edge_index_l2)
    acc2 = _sc_agg(h, src2, dst2)

    w2 = jnp.concatenate([W2_root, W2_neigh], axis=0)
    out = pl.pallas_call(
        _out_body,
        grid=(grid,),
        in_specs=[
            pl.BlockSpec((_BLK, _W), lambda i: (i, 0)),
            pl.BlockSpec((_NC, _BLK, _W), lambda i: (0, i, 0)),
            pl.BlockSpec((2 * d_h, d_out), lambda i: (0, 0)),
            pl.BlockSpec((1, d_out), lambda i: (0, 0)),
        ],
        out_specs=pl.BlockSpec((_BLK, d_out), lambda i: (i, 0)),
        out_shape=jax.ShapeDtypeStruct((n, d_out), jnp.float32),
    )(h, acc2, w2, b2.reshape(1, d_out))
    return out

# --- scband reference (transcript-rebuilt; emitter-appended) ---
"""Pipeline reference for scband-base-net-44659069944275 (READ-ONLY COPY).

The authoritative reference and input builder live on the scoring server;
editing this copy changes nothing except your own understanding.
"""

import jax, jax.numpy as jnp
import numpy as np

N = 10000
E = 320000
D_IN = 128
D_H = 64
D_OUT = 128


def setup_inputs(seed: int = 0) -> dict:
    key = jax.random.key(seed)
    ks = jax.random.split(key, 9)
    x = jax.random.normal(ks[0], (N, D_IN), dtype=jnp.float32)
    edge_index_l1 = jax.random.randint(ks[1], (2, E), 0, N, dtype=jnp.int32)
    edge_index_l2 = jax.random.randint(ks[2], (2, E), 0, N, dtype=jnp.int32)
    # SAGE-style conv params: layer1 (D_IN->D_H), layer2 (D_H->D_OUT)
    W1_root = jax.random.normal(ks[3], (D_IN, D_H), dtype=jnp.float32) * (1.0 / np.sqrt(D_IN))
    W1_neigh = jax.random.normal(ks[4], (D_IN, D_H), dtype=jnp.float32) * (1.0 / np.sqrt(D_IN))
    b1 = jnp.zeros((D_H,), dtype=jnp.float32)
    W2_root = jax.random.normal(ks[5], (D_H, D_OUT), dtype=jnp.float32) * (1.0 / np.sqrt(D_H))
    W2_neigh = jax.random.normal(ks[6], (D_H, D_OUT), dtype=jnp.float32) * (1.0 / np.sqrt(D_H))
    b2 = jnp.zeros((D_OUT,), dtype=jnp.float32)
    return {
        "x": x,
        "edge_index_l1": edge_index_l1,
        "edge_index_l2": edge_index_l2,
        "W1_root": W1_root,
        "W1_neigh": W1_neigh,
        "b1": b1,
        "W2_root": W2_root,
        "W2_neigh": W2_neigh,
        "b2": b2,
    }


def _sage_conv(x_src, x_dst, edge_index, W_root, W_neigh, b):
    # Bipartite SAGEConv with mean aggregation:
    # out = x_dst @ W_root + mean_{j in N(i)} x_src[j] @ W_neigh + b
    src = edge_index[0]
    dst = edge_index[1]
    n_dst = x_dst.shape[0]
    msgs = jnp.take(x_src, src, axis=0)  # gather [E, d]
    agg = jax.ops.segment_sum(msgs, dst, num_segments=n_dst)  # scatter-add
    deg = jax.ops.segment_sum(jnp.ones_like(dst, dtype=x_src.dtype), dst, num_segments=n_dst)
    mean = agg / jnp.clip(deg, 1.0)[:, None]
    return x_dst @ W_root + mean @ W_neigh + b


def reference(x, edge_index_l1, edge_index_l2, W1_root, W1_neigh, b1, W2_root, W2_neigh, b2):
    # Layer 1: (x, x_target=x[:size[1]]=x) with per-layer edge_index
    h = _sage_conv(x, x, edge_index_l1, W1_root, W1_neigh, b1)
    h = jax.nn.relu(h)
    # dropout p=0.0 -> identity
    out = _sage_conv(h, h, edge_index_l2, W2_root, W2_neigh, b2)
    return out

if __name__ == "__main__":
    import jax
    _d = setup_inputs()
    print(jax.jit(kernel)(*tuple(_d.values())))

</pallas_src>

<mosaic_0001>
#map = affine_map<(d0, d1) -> (0, 0)>
#map1 = affine_map<(d0, d1) -> (0, 0, 0)>
module attributes {stable_mosaic.version = 14 : i64} {
  func.func @_sc_agg_body(%arg0: i32, %arg1: i32, %arg2: memref<10112x80xf32, #tpu.memory_space<hbm>>, %arg3: memref<2500x128xi32, #tpu.memory_space<hbm>>, %arg4: memref<2500x128xi32, #tpu.memory_space<hbm>>, %arg5: memref<2x10112x80xf32, #tpu.memory_space<hbm>>, %arg6: memref<79x128xi32, #tpu.memory_space<vmem>>, %arg7: memref<79x128xi32, #tpu.memory_space<vmem>>, %arg8: memref<128x80xf32, #tpu.memory_space<vmem>>, %arg9: memref<10112x80xf32, #tpu.memory_space<vmem_shared>>, %arg10: memref<!tpu.dma_semaphore, #tpu.memory_space<semaphore_mem>>) attributes {dimension_semantics = [#tpu.dimension_semantics<core_parallel>, #tpu.dimension_semantics<subcore_parallel>], iteration_bounds = array<i64: 2, 16>, scalar_prefetch = 0 : i64, scratch_operands = 5 : i64, tpu.core_type = #tpu.core_type<sc_vector_subcore>, window_params = [{transform_indices = #map}, {transform_indices = #map}, {transform_indices = #map}, {transform_indices = #map1}]} {
    %mul3A = arith.constant 16 : i32
    %mul3A_0 = arith.muli %arg0, %mul3A : i32
    %add3A = arith.addi %mul3A_0, %arg1 : i32
    %scan3A = arith.constant 0 : i32
    %scan3A_1 = arith.constant 0 : i32
    %scan3A_2 = arith.constant 640 : i32
    %scan3A_3 = arith.addi %scan3A_1, %scan3A_2 : i32
    %scan3A_4 = arith.constant 5 : i32
    scf.for %scan3A_34 = %scan3A_1 to %scan3A_3 step %scan3A_4  : i32 {
      %broadcast_in_dim3A = arith.constant 0.000000e+00 : f32
      %broadcast_in_dim3A_35 = vector.broadcast %broadcast_in_dim3A : f32 to vector<16xf32>
      %jit3A = arith.constant 5 : i32
      %div3A = arith.divsi %scan3A_34, %jit3A : i32
      %sign3A = arith.constant 0 : i32
      %sign3A_36 = arith.cmpi sgt, %scan3A_34, %sign3A : i32
      %sign3A_37 = arith.extui %sign3A_36 : i1 to i32
      %sign3A_38 = arith.constant 0 : i32
      %sign3A_39 = arith.cmpi slt, %scan3A_34, %sign3A_38 : i32
      %sign3A_40 = arith.extui %sign3A_39 : i1 to i32
      %sign3A_41 = arith.subi %sign3A_37, %sign3A_40 : i32
      %sign3A_42 = arith.constant 0 : i32
      %sign3A_43 = arith.cmpi sgt, %jit3A, %sign3A_42 : i32
      %sign3A_44 = arith.extui %sign3A_43 : i1 to i32
      %sign3A_45 = arith.constant 0 : i32
      %sign3A_46 = arith.cmpi slt, %jit3A, %sign3A_45 : i32
      %sign3A_47 = arith.extui %sign3A_46 : i1 to i32
      %sign3A_48 = arith.subi %sign3A_44, %sign3A_47 : i32
      %ne3A = arith.cmpi ne, %sign3A_41, %sign3A_48 : i32
      %rem3A = arith.remsi %scan3A_34, %jit3A : i32
      %ne3A_49 = arith.constant 0 : i32
      %ne3A_50 = arith.cmpi ne, %rem3A, %ne3A_49 : i32
      %and3A = arith.andi %ne3A, %ne3A_50 : i1
      %sub3A = arith.constant 1 : i32
      %sub3A_51 = arith.subi %div3A, %sub3A : i32
      %select_n3A = arith.select %and3A, %sub3A_51, %div3A : i32
      %jit3A_52 = arith.constant 5 : i32
      %eq3A = arith.constant 0 : i32
      %eq3A_53 = arith.cmpi eq, %jit3A_52, %eq3A : i32
      %jit3A_54 = arith.constant 1 : i32
      %select_n3A_55 = arith.select %eq3A_53, %jit3A_54, %jit3A_52 : i32
      %rem3A_56 = arith.remsi %scan3A_34, %select_n3A_55 : i32
      %ne3A_57 = arith.constant 0 : i32
      %ne3A_58 = arith.cmpi ne, %rem3A_56, %ne3A_57 : i32
      %lt3A_59 = arith.constant 0 : i32
      %lt3A_60 = arith.cmpi slt, %rem3A_56, %lt3A_59 : i32
      %lt3A_61 = arith.constant 0 : i32
      %lt3A_62 = arith.cmpi slt, %select_n3A_55, %lt3A_61 : i32
      %ne3A_63 = arith.xori %lt3A_60, %lt3A_62 : i1
      %and3A_64 = arith.andi %ne3A_63, %ne3A_58 : i1
      %add3A_65 = arith.addi %rem3A_56, %select_n3A_55 : i32
      %select_n3A_66 = arith.select %and3A_64, %add3A_65, %rem3A_56 : i32
      %mul3A_67 = arith.constant 16 : i32
      %mul3A_68 = arith.muli %select_n3A_66, %mul3A_67 : i32
      %swap3A = arith.index_cast %select_n3A : i32 to index
      %swap3A_69 = arith.index_cast %mul3A_68 : i32 to index
      %swap3A_70 = tpu.vector_load %arg8[%swap3A, %swap3A_69] {strides = array<i32>} : memref<128x80xf32, #tpu.memory_space<vmem>>, vector<16xf32>,
      tpu.vector_store %arg8[%swap3A, %swap3A_69], %broadcast_in_dim3A_35 {strides = array<i32>} : memref<128x80xf32, #tpu.memory_space<vmem>>, vector<16xf32>,
      %scan3A_71 = arith.constant 1 : i32
      %scan3A_72 = arith.addi %scan3A_34, %scan3A_71 : i32
      %broadcast_in_dim3A_73 = arith.constant 0.000000e+00 : f32
      %broadcast_in_dim3A_74 = vector.broadcast %broadcast_in_dim3A_73 : f32 to vector<16xf32>
      %jit3A_75 = arith.constant 5 : i32
      %div3A_76 = arith.divsi %scan3A_72, %jit3A_75 : i32
      %sign3A_77 = arith.constant 0 : i32
      %sign3A_78 = arith.cmpi sgt, %scan3A_72, %sign3A_77 : i32
      %sign3A_79 = arith.extui %sign3A_78 : i1 to i32
      %sign3A_80 = arith.constant 0 : i32
      %sign3A_81 = arith.cmpi slt, %scan3A_72, %sign3A_80 : i32
      %sign3A_82 = arith.extui %sign3A_81 : i1 to i32
      %sign3A_83 = arith.subi %sign3A_79, %sign3A_82 : i32
      %sign3A_84 = arith.constant 0 : i32
      %sign3A_85 = arith.cmpi sgt, %jit3A_75, %sign3A_84 : i32
      %sign3A_86 = arith.extui %sign3A_85 : i1 to i32
      %sign3A_87 = arith.constant 0 : i32
      %sign3A_88 = arith.cmpi slt, %jit3A_75, %sign3A_87 : i32
      %sign3A_89 = arith.extui %sign3A_88 : i1 to i32
      %sign3A_90 = arith.subi %sign3A_86, %sign3A_89 : i32
      %ne3A_91 = arith.cmpi ne, %sign3A_83, %sign3A_90 : i32
      %rem3A_92 = arith.remsi %scan3A_72, %jit3A_75 : i32
      %ne3A_93 = arith.constant 0 : i32
      %ne3A_94 = arith.cmpi ne, %rem3A_92, %ne3A_93 : i32
      %and3A_95 = arith.andi %ne3A_91, %ne3A_94 : i1
      %sub3A_96 = arith.constant 1 : i32
      %sub3A_97 = arith.subi %div3A_76, %sub3A_96 : i32
      %select_n3A_98 = arith.select %and3A_95, %sub3A_97, %div3A_76 : i32
      %jit3A_99 = arith.constant 5 : i32
      %eq3A_100 = arith.constant 0 : i32
      %eq3A_101 = arith.cmpi eq, %jit3A_99, %eq3A_100 : i32
      %jit3A_102 = arith.constant 1 : i32
      %select_n3A_103 = arith.select %eq3A_101, %jit3A_102, %jit3A_99 : i32
      %rem3A_104 = arith.remsi %scan3A_72, %select_n3A_103 : i32
      %ne3A_105 = arith.constant 0 : i32
      %ne3A_106 = arith.cmpi ne, %rem3A_104, %ne3A_105 : i32
      %lt3A_107 = arith.constant 0 : i32
      %lt3A_108 = arith.cmpi slt, %rem3A_104, %lt3A_107 : i32
      %lt3A_109 = arith.constant 0 : i32
      %lt3A_110 = arith.cmpi slt, %select_n3A_103, %lt3A_109 : i32
      %ne3A_111 = arith.xori %lt3A_108, %lt3A_110 : i1
      %and3A_112 = arith.andi %ne3A_111, %ne3A_106 : i1
      %add3A_113 = arith.addi %rem3A_104, %select_n3A_103 : i32
      %select_n3A_114 = arith.select %and3A_112, %add3A_113, %rem3A_104 : i32
      %mul3A_115 = arith.constant 16 : i32
      %mul3A_116 = arith.muli %select_n3A_114, %mul3A_115 : i32
      %swap3A_117 = arith.index_cast %select_n3A_98 : i32 to index
      %swap3A_118 = arith.index_cast %mul3A_116 : i32 to index
      %swap3A_119 = tpu.vector_load %arg8[%swap3A_117, %swap3A_118] {strides = array<i32>} : memref<128x80xf32, #tpu.memory_space<vmem>>, vector<16xf32>,
      tpu.vector_store %arg8[%swap3A_117, %swap3A_118], %broadcast_in_dim3A_74 {strides = array<i32>} : memref<128x80xf32, #tpu.memory_space<vmem>>, vector<16xf32>,
      %scan3A_120 = arith.constant 2 : i32
      %scan3A_121 = arith.addi %scan3A_34, %scan3A_120 : i32
      %broadcast_in_dim3A_122 = arith.constant 0.000000e+00 : f32
      %broadcast_in_dim3A_123 = vector.broadcast %broadcast_in_dim3A_122 : f32 to vector<16xf32>
      %jit3A_124 = arith.constant 5 : i32
      %div3A_125 = arith.divsi %scan3A_121, %jit3A_124 : i32
      %sign3A_126 = arith.constant 0 : i32
      %sign3A_127 = arith.cmpi sgt, %scan3A_121, %sign3A_126 : i32
      %sign3A_128 = arith.extui %sign3A_127 : i1 to i32
      %sign3A_129 = arith.constant 0 : i32
      %sign3A_130 = arith.cmpi slt, %scan3A_121, %sign3A_129 : i32
      %sign3A_131 = arith.extui %sign3A_130 : i1 to i32
      %sign3A_132 = arith.subi %sign3A_128, %sign3A_131 : i32
      %sign3A_133 = arith.constant 0 : i32
      %sign3A_134 = arith.cmpi sgt, %jit3A_124, %sign3A_133 : i32
      %sign3A_135 = arith.extui %sign3A_134 : i1 to i32
      %sign3A_136 = arith.constant 0 : i32
      %sign3A_137 = arith.cmpi slt, %jit3A_124, %sign3A_136 : i32
      %sign3A_138 = arith.extui %sign3A_137 : i1 to i32
      %sign3A_139 = arith.subi %sign3A_135, %sign3A_138 : i32
      %ne3A_140 = arith.cmpi ne, %sign3A_132, %sign3A_139 : i32
      %rem3A_141 = arith.remsi %scan3A_121, %jit3A_124 : i32
      %ne3A_142 = arith.constant 0 : i32
      %ne3A_143 = arith.cmpi ne, %rem3A_141, %ne3A_142 : i32
      %and3A_144 = arith.andi %ne3A_140, %ne3A_143 : i1
      %sub3A_145 = arith.constant 1 : i32
      %sub3A_146 = arith.subi %div3A_125, %sub3A_145 : i32
      %select_n3A_147 = arith.select %and3A_144, %sub3A_146, %div3A_125 : i32
      %jit3A_148 = arith.constant 5 : i32
      %eq3A_149 = arith.constant 0 : i32
      %eq3A_150 = arith.cmpi eq, %jit3A_148, %eq3A_149 : i32
      %jit3A_151 = arith.constant 1 : i32
      %select_n3A_152 = arith.select %eq3A_150, %jit3A_151, %jit3A_148 : i32
      %rem3A_153 = arith.remsi %scan3A_121, %select_n3A_152 : i32
      %ne3A_154 = arith.constant 0 : i32
      %ne3A_155 = arith.cmpi ne, %rem3A_153, %ne3A_154 : i32
      %lt3A_156 = arith.constant 0 : i32
      %lt3A_157 = arith.cmpi slt, %rem3A_153, %lt3A_156 : i32
      %lt3A_158 = arith.constant 0 : i32
      %lt3A_159 = arith.cmpi slt, %select_n3A_152, %lt3A_158 : i32
      %ne3A_160 = arith.xori %lt3A_157, %lt3A_159 : i1
      %and3A_161 = arith.andi %ne3A_160, %ne3A_155 : i1
      %add3A_162 = arith.addi %rem3A_153, %select_n3A_152 : i32
      %select_n3A_163 = arith.select %and3A_161, %add3A_162, %rem3A_153 : i32
      %mul3A_164 = arith.constant 16 : i32
      %mul3A_165 = arith.muli %select_n3A_163, %mul3A_164 : i32
      %swap3A_166 = arith.index_cast %select_n3A_147 : i32 to index
      %swap3A_167 = arith.index_cast %mul3A_165 : i32 to index
      %swap3A_168 = tpu.vector_load %arg8[%swap3A_166, %swap3A_167] {strides = array<i32>} : memref<128x80xf32, #tpu.memory_space<vmem>>, vector<16xf32>,
      tpu.vector_store %arg8[%swap3A_166, %swap3A_167], %broadcast_in_dim3A_123 {strides = array<i32>} : memref<128x80xf32, #tpu.memory_space<vmem>>, vector<16xf32>,
      %scan3A_169 = arith.constant 3 : i32
      %scan3A_170 = arith.addi %scan3A_34, %scan3A_169 : i32
      %broadcast_in_dim3A_171 = arith.constant 0.000000e+00 : f32
      %broadcast_in_dim3A_172 = vector.broadcast %broadcast_in_dim3A_171 : f32 to vector<16xf32>
      %jit3A_173 = arith.constant 5 : i32
      %div3A_174 = arith.divsi %scan3A_170, %jit3A_173 : i32
      %sign3A_175 = arith.constant 0 : i32
      %sign3A_176 = arith.cmpi sgt, %scan3A_170, %sign3A_175 : i32
      %sign3A_177 = arith.extui %sign3A_176 : i1 to i32
      %sign3A_178 = arith.constant 0 : i32
      %sign3A_179 = arith.cmpi slt, %scan3A_170, %sign3A_178 : i32
      %sign3A_180 = arith.extui %sign3A_179 : i1 to i32
      %sign3A_181 = arith.subi %sign3A_177, %sign3A_180 : i32
      %sign3A_182 = arith.constant 0 : i32
      %sign3A_183 = arith.cmpi sgt, %jit3A_173, %sign3A_182 : i32
      %sign3A_184 = arith.extui %sign3A_183 : i1 to i32
      %sign3A_185 = arith.constant 0 : i32
      %sign3A_186 = arith.cmpi slt, %jit3A_173, %sign3A_185 : i32
      %sign3A_187 = arith.extui %sign3A_186 : i1 to i32
      %sign3A_188 = arith.subi %sign3A_184, %sign3A_187 : i32
      %ne3A_189 = arith.cmpi ne, %sign3A_181, %sign3A_188 : i32
      %rem3A_190 = arith.remsi %scan3A_170, %jit3A_173 : i32
      %ne3A_191 = arith.constant 0 : i32
      %ne3A_192 = arith.cmpi ne, %rem3A_190, %ne3A_191 : i32
      %and3A_193 = arith.andi %ne3A_189, %ne3A_192 : i1
      %sub3A_194 = arith.constant 1 : i32
      %sub3A_195 = arith.subi %div3A_174, %sub3A_194 : i32
      %select_n3A_196 = arith.select %and3A_193, %sub3A_195, %div3A_174 : i32
      %jit3A_197 = arith.constant 5 : i32
      %eq3A_198 = arith.constant 0 : i32
      %eq3A_199 = arith.cmpi eq, %jit3A_197, %eq3A_198 : i32
      %jit3A_200 = arith.constant 1 : i32
      %select_n3A_201 = arith.select %eq3A_199, %jit3A_200, %jit3A_197 : i32
      %rem3A_202 = arith.remsi %scan3A_170, %select_n3A_201 : i32
      %ne3A_203 = arith.constant 0 : i32
      %ne3A_204 = arith.cmpi ne, %rem3A_202, %ne3A_203 : i32
      %lt3A_205 = arith.constant 0 : i32
      %lt3A_206 = arith.cmpi slt, %rem3A_202, %lt3A_205 : i32
      %lt3A_207 = arith.constant 0 : i32
      %lt3A_208 = arith.cmpi slt, %select_n3A_201, %lt3A_207 : i32
      %ne3A_209 = arith.xori %lt3A_206, %lt3A_208 : i1
      %and3A_210 = arith.andi %ne3A_209, %ne3A_204 : i1
      %add3A_211 = arith.addi %rem3A_202, %select_n3A_201 : i32
      %select_n3A_212 = arith.select %and3A_210, %add3A_211, %rem3A_202 : i32
      %mul3A_213 = arith.constant 16 : i32
      %mul3A_214 = arith.muli %select_n3A_212, %mul3A_213 : i32
      %swap3A_215 = arith.index_cast %select_n3A_196 : i32 to index
      %swap3A_216 = arith.index_cast %mul3A_214 : i32 to index
      %swap3A_217 = tpu.vector_load %arg8[%swap3A_215, %swap3A_216] {strides = array<i32>} : memref<128x80xf32, #tpu.memory_space<vmem>>, vector<16xf32>,
      tpu.vector_store %arg8[%swap3A_215, %swap3A_216], %broadcast_in_dim3A_172 {strides = array<i32>} : memref<128x80xf32, #tpu.memory_space<vmem>>, vector<16xf32>,
      %scan3A_218 = arith.constant 4 : i32
      %scan3A_219 = arith.addi %scan3A_34, %scan3A_218 : i32
      %broadcast_in_dim3A_220 = arith.constant 0.000000e+00 : f32
      %broadcast_in_dim3A_221 = vector.broadcast %broadcast_in_dim3A_220 : f32 to vector<16xf32>
      %jit3A_222 = arith.constant 5 : i32
      %div3A_223 = arith.divsi %scan3A_219, %jit3A_222 : i32
      %sign3A_224 = arith.constant 0 : i32
      %sign3A_225 = arith.cmpi sgt, %scan3A_219, %sign3A_224 : i32
      %sign3A_226 = arith.extui %sign3A_225 : i1 to i32
      %sign3A_227 = arith.constant 0 : i32
      %sign3A_228 = arith.cmpi slt, %scan3A_219, %sign3A_227 : i32
      %sign3A_229 = arith.extui %sign3A_228 : i1 to i32
      %sign3A_230 = arith.subi %sign3A_226, %sign3A_229 : i32
      %sign3A_231 = arith.constant 0 : i32
      %sign3A_232 = arith.cmpi sgt, %jit3A_222, %sign3A_231 : i32
      %sign3A_233 = arith.extui %sign3A_232 : i1 to i32
      %sign3A_234 = arith.constant 0 : i32
      %sign3A_235 = arith.cmpi slt, %jit3A_222, %sign3A_234 : i32
      %sign3A_236 = arith.extui %sign3A_235 : i1 to i32
      %sign3A_237 = arith.subi %sign3A_233, %sign3A_236 : i32
      %ne3A_238 = arith.cmpi ne, %sign3A_230, %sign3A_237 : i32
      %rem3A_239 = arith.remsi %scan3A_219, %jit3A_222 : i32
      %ne3A_240 = arith.constant 0 : i32
      %ne3A_241 = arith.cmpi ne, %rem3A_239, %ne3A_240 : i32
      %and3A_242 = arith.andi %ne3A_238, %ne3A_241 : i1
      %sub3A_243 = arith.constant 1 : i32
      %sub3A_244 = arith.subi %div3A_223, %sub3A_243 : i32
      %select_n3A_245 = arith.select %and3A_242, %sub3A_244, %div3A_223 : i32
      %jit3A_246 = arith.constant 5 : i32
      %eq3A_247 = arith.constant 0 : i32
      %eq3A_248 = arith.cmpi eq, %jit3A_246, %eq3A_247 : i32
      %jit3A_249 = arith.constant 1 : i32
      %select_n3A_250 = arith.select %eq3A_248, %jit3A_249, %jit3A_246 : i32
      %rem3A_251 = arith.remsi %scan3A_219, %select_n3A_250 : i32
      %ne3A_252 = arith.constant 0 : i32
      %ne3A_253 = arith.cmpi ne, %rem3A_251, %ne3A_252 : i32
      %lt3A_254 = arith.constant 0 : i32
      %lt3A_255 = arith.cmpi slt, %rem3A_251, %lt3A_254 : i32
      %lt3A_256 = arith.constant 0 : i32
      %lt3A_257 = arith.cmpi slt, %select_n3A_250, %lt3A_256 : i32
      %ne3A_258 = arith.xori %lt3A_255, %lt3A_257 : i1
      %and3A_259 = arith.andi %ne3A_258, %ne3A_253 : i1
      %add3A_260 = arith.addi %rem3A_251, %select_n3A_250 : i32
      %select_n3A_261 = arith.select %and3A_259, %add3A_260, %rem3A_251 : i32
      %mul3A_262 = arith.constant 16 : i32
      %mul3A_263 = arith.muli %select_n3A_261, %mul3A_262 : i32
      %swap3A_264 = arith.index_cast %select_n3A_245 : i32 to index
      %swap3A_265 = arith.index_cast %mul3A_263 : i32 to index
      %swap3A_266 = tpu.vector_load %arg8[%swap3A_264, %swap3A_265] {strides = array<i32>} : memref<128x80xf32, #tpu.memory_space<vmem>>, vector<16xf32>,
      tpu.vector_store %arg8[%swap3A_264, %swap3A_265], %broadcast_in_dim3A_221 {strides = array<i32>} : memref<128x80xf32, #tpu.memory_space<vmem>>, vector<16xf32>,
    }
    %scan3A_5 = arith.constant 640 : i32
    %mul3A_6 = arith.constant 632 : i32
    %mul3A_7 = arith.muli %arg1, %mul3A_6 : i32
    %add3A_8 = arith.constant 0 : i32
    %add3A_9 = arith.addi %mul3A_7, %add3A_8 : i32
    "tpu.region"() ({
      %run_scoped3A = tpu.sem_alloc : memref<!tpu.dma_semaphore, #tpu.memory_space<semaphore_mem>>
      %dma_start3A = arith.constant 0 : i32
      %dma_start3A_34 = tpu.memref_slice %arg9[%add3A_9, %dma_start3A] : memref<10112x80xf32, #tpu.memory_space<vmem_shared>> -> memref<128x80xf32, #tpu.memory_space<vmem_shared>>
      %dma_start3A_35 = arith.constant 0 : i32
      %dma_start3A_36 = tpu.memref_slice %arg9[%add3A_9, %dma_start3A_35] : memref<10112x80xf32, #tpu.memory_space<vmem_shared>> -> memref<128x80xf32, #tpu.memory_space<vmem_shared>>
      tpu.enqueue_dma source(%arg8 : memref<128x80xf32, #tpu.memory_space<vmem>>) target(%dma_start3A_36 : memref<128x80xf32, #tpu.memory_space<vmem_shared>>) target_semaphore(%run_scoped3A : memref<!tpu.dma_semaphore, #tpu.memory_space<semaphore_mem>>)
      %dma_wait3A = arith.constant 0 : i32
      %dma_wait3A_37 = tpu.memref_slice %arg9[%add3A_9, %dma_wait3A] : memref<10112x80xf32, #tpu.memory_space<vmem_shared>> -> memref<128x80xf32, #tpu.memory_space<vmem_shared>>
      %dma_wait3A_38 = arith.constant 0 : i32
      %dma_wait3A_39 = tpu.memref_slice %arg9[%add3A_9, %dma_wait3A_38] : memref<10112x80xf32, #tpu.memory_space<vmem_shared>> -> memref<128x80xf32, #tpu.memory_space<vmem_shared>>
      tpu.wait_dma2 semaphore(%run_scoped3A : memref<!tpu.dma_semaphore, #tpu.memory_space<semaphore_mem>>) src(%arg8 : memref<128x80xf32, #tpu.memory_space<vmem>>) dst(%dma_wait3A_39 : memref<128x80xf32, #tpu.memory_space<vmem_shared>>)
      tpu.yield
    }) : () -> ()
    %add3A_10 = arith.constant 128 : i32
    %add3A_11 = arith.addi %mul3A_7, %add3A_10 : i32
    "tpu.region"() ({
      %run_scoped3A = tpu.sem_alloc : memref<!tpu.dma_semaphore, #tpu.memory_space<semaphore_mem>>
      %dma_start3A = arith.constant 0 : i32
      %dma_start3A_34 = tpu.memref_slice %arg9[%add3A_11, %dma_start3A] : memref<10112x80xf32, #tpu.memory_space<vmem_shared>> -> memref<128x80xf32, #tpu.memory_space<vmem_shared>>
      %dma_start3A_35 = arith.constant 0 : i32
      %dma_start3A_36 = tpu.memref_slice %arg9[%add3A_11, %dma_start3A_35] : memref<10112x80xf32, #tpu.memory_space<vmem_shared>> -> memref<128x80xf32, #tpu.memory_space<vmem_shared>>
      tpu.enqueue_dma source(%arg8 : memref<128x80xf32, #tpu.memory_space<vmem>>) target(%dma_start3A_36 : memref<128x80xf32, #tpu.memory_space<vmem_shared>>) target_semaphore(%run_scoped3A : memref<!tpu.dma_semaphore, #tpu.memory_space<semaphore_mem>>)
      %dma_wait3A = arith.constant 0 : i32
      %dma_wait3A_37 = tpu.memref_slice %arg9[%add3A_11, %dma_wait3A] : memref<10112x80xf32, #tpu.memory_space<vmem_shared>> -> memref<128x80xf32, #tpu.memory_space<vmem_shared>>
      %dma_wait3A_38 = arith.constant 0 : i32
      %dma_wait3A_39 = tpu.memref_slice %arg9[%add3A_11, %dma_wait3A_38] : memref<10112x80xf32, #tpu.memory_space<vmem_shared>> -> memref<128x80xf32, #tpu.memory_space<vmem_shared>>
      tpu.wait_dma2 semaphore(%run_scoped3A : memref<!tpu.dma_semaphore, #tpu.memory_space<semaphore_mem>>) src(%arg8 : memref<128x80xf32, #tpu.memory_space<vmem>>) dst(%dma_wait3A_39 : memref<128x80xf32, #tpu.memory_space<vmem_shared>>)
      tpu.yield
    }) : () -> ()
    %add3A_12 = arith.constant 256 : i32
    %add3A_13 = arith.addi %mul3A_7, %add3A_12 : i32
    "tpu.region"() ({
      %run_scoped3A = tpu.sem_alloc : memref<!tpu.dma_semaphore, #tpu.memory_space<semaphore_mem>>
      %dma_start3A = arith.constant 0 : i32
      %dma_start3A_34 = tpu.memref_slice %arg9[%add3A_13, %dma_start3A] : memref<10112x80xf32, #tpu.memory_space<vmem_shared>> -> memref<128x80xf32, #tpu.memory_space<vmem_shared>>
      %dma_start3A_35 = arith.constant 0 : i32
      %dma_start3A_36 = tpu.memref_slice %arg9[%add3A_13, %dma_start3A_35] : memref<10112x80xf32, #tpu.memory_space<vmem_shared>> -> memref<128x80xf32, #tpu.memory_space<vmem_shared>>
      tpu.enqueue_dma source(%arg8 : memref<128x80xf32, #tpu.memory_space<vmem>>) target(%dma_start3A_36 : memref<128x80xf32, #tpu.memory_space<vmem_shared>>) target_semaphore(%run_scoped3A : memref<!tpu.dma_semaphore, #tpu.memory_space<semaphore_mem>>)
      %dma_wait3A = arith.constant 0 : i32
      %dma_wait3A_37 = tpu.memref_slice %arg9[%add3A_13, %dma_wait3A] : memref<10112x80xf32, #tpu.memory_space<vmem_shared>> -> memref<128x80xf32, #tpu.memory_space<vmem_shared>>
      %dma_wait3A_38 = arith.constant 0 : i32
      %dma_wait3A_39 = tpu.memref_slice %arg9[%add3A_13, %dma_wait3A_38] : memref<10112x80xf32, #tpu.memory_space<vmem_shared>> -> memref<128x80xf32, #tpu.memory_space<vmem_shared>>
      tpu.wait_dma2 semaphore(%run_scoped3A : memref<!tpu.dma_semaphore, #tpu.memory_space<semaphore_mem>>) src(%arg8 : memref<128x80xf32, #tpu.memory_space<vmem>>) dst(%dma_wait3A_39 : memref<128x80xf32, #tpu.memory_space<vmem_shared>>)
      tpu.yield
    }) : () -> ()
    %add3A_14 = arith.constant 384 : i32
    %add3A_15 = arith.addi %mul3A_7, %add3A_14 : i32
    "tpu.region"() ({
      %run_scoped3A = tpu.sem_alloc : memref<!tpu.dma_semaphore, #tpu.memory_space<semaphore_mem>>
      %dma_start3A = arith.constant 0 : i32
      %dma_start3A_34 = tpu.memref_slice %arg9[%add3A_15, %dma_start3A] : memref<10112x80xf32, #tpu.memory_space<vmem_shared>> -> memref<128x80xf32, #tpu.memory_space<vmem_shared>>
      %dma_start3A_35 = arith.constant 0 : i32
      %dma_start3A_36 = tpu.memref_slice %arg9[%add3A_15, %dma_start3A_35] : memref<10112x80xf32, #tpu.memory_space<vmem_shared>> -> memref<128x80xf32, #tpu.memory_space<vmem_shared>>
      tpu.enqueue_dma source(%arg8 : memref<128x80xf32, #tpu.memory_space<vmem>>) target(%dma_start3A_36 : memref<128x80xf32, #tpu.memory_space<vmem_shared>>) target_semaphore(%run_scoped3A : memref<!tpu.dma_semaphore, #tpu.memory_space<semaphore_mem>>)
      %dma_wait3A = arith.constant 0 : i32
      %dma_wait3A_37 = tpu.memref_slice %arg9[%add3A_15, %dma_wait3A] : memref<10112x80xf32, #tpu.memory_space<vmem_shared>> -> memref<128x80xf32, #tpu.memory_space<vmem_shared>>
      %dma_wait3A_38 = arith.constant 0 : i32
      %dma_wait3A_39 = tpu.memref_slice %arg9[%add3A_15, %dma_wait3A_38] : memref<10112x80xf32, #tpu.memory_space<vmem_shared>> -> memref<128x80xf32, #tpu.memory_space<vmem_shared>>
      tpu.wait_dma2 semaphore(%run_scoped3A : memref<!tpu.dma_semaphore, #tpu.memory_space<semaphore_mem>>) src(%arg8 : memref<128x80xf32, #tpu.memory_space<vmem>>) dst(%dma_wait3A_39 : memref<128x80xf32, #tpu.memory_space<vmem_shared>>)
      tpu.yield
    }) : () -> ()
    %add3A_16 = arith.constant 512 : i32
    %add3A_17 = arith.addi %mul3A_7, %add3A_16 : i32
    "tpu.region"() ({
      %run_scoped3A = tpu.sem_alloc : memref<!tpu.dma_semaphore, #tpu.memory_space<semaphore_mem>>
      %dma_start3A = arith.constant 0 : i32
      %dma_start3A_34 = arith.constant 0 : i32
      %dma_start3A_35 = tpu.memref_slice %arg8[%dma_start3A, %dma_start3A_34] : memref<128x80xf32, #tpu.memory_space<vmem>> -> memref<120x80xf32, #tpu.memory_space<vmem>>
      %dma_start3A_36 = arith.constant 0 : i32
      %dma_start3A_37 = tpu.memref_slice %arg9[%add3A_17, %dma_start3A_36] : memref<10112x80xf32, #tpu.memory_space<vmem_shared>> -> memref<120x80xf32, #tpu.memory_space<vmem_shared>>
      %dma_start3A_38 = arith.constant 0 : i32
      %dma_start3A_39 = tpu.memref_slice %arg9[%add3A_17, %dma_start3A_38] : memref<10112x80xf32, #tpu.memory_space<vmem_shared>> -> memref<120x80xf32, #tpu.memory_space<vmem_shared>>
      %dma_start3A_40 = arith.constant 0 : i32
      %dma_start3A_41 = arith.constant 0 : i32
      %dma_start3A_42 = tpu.memref_slice %arg8[%dma_start3A_40, %dma_start3A_41] : memref<128x80xf32, #tpu.memory_space<vmem>> -> memref<120x80xf32, #tpu.memory_space<vmem>>
      tpu.enqueue_dma source(%dma_start3A_42 : memref<120x80xf32, #tpu.memory_space<vmem>>) target(%dma_start3A_39 : memref<120x80xf32, #tpu.memory_space<vmem_shared>>) target_semaphore(%run_scoped3A : memref<!tpu.dma_semaphore, #tpu.memory_space<semaphore_mem>>)
      %dma_wait3A = arith.constant 0 : i32
      %dma_wait3A_43 = arith.constant 0 : i32
      %dma_wait3A_44 = tpu.memref_slice %arg8[%dma_wait3A, %dma_wait3A_43] : memref<128x80xf32, #tpu.memory_space<vmem>> -> memref<120x80xf32, #tpu.memory_space<vmem>>
      %dma_wait3A_45 = arith.constant 0 : i32
      %dma_wait3A_46 = tpu.memref_slice %arg9[%add3A_17, %dma_wait3A_45] : memref<10112x80xf32, #tpu.memory_space<vmem_shared>> -> memref<120x80xf32, #tpu.memory_space<vmem_shared>>
      %dma_wait3A_47 = arith.constant 0 : i32
      %dma_wait3A_48 = tpu.memref_slice %arg9[%add3A_17, %dma_wait3A_47] : memref<10112x80xf32, #tpu.memory_space<vmem_shared>> -> memref<120x80xf32, #tpu.memory_space<vmem_shared>>
      %dma_wait3A_49 = arith.constant 0 : i32
      %dma_wait3A_50 = arith.constant 0 : i32
      %dma_wait3A_51 = tpu.memref_slice %arg8[%dma_wait3A_49, %dma_wait3A_50] : memref<128x80xf32, #tpu.memory_space<vmem>> -> memref<120x80xf32, #tpu.memory_space<vmem>>
      tpu.wait_dma2 semaphore(%run_scoped3A : memref<!tpu.dma_semaphore, #tpu.memory_space<semaphore_mem>>) src(%dma_wait3A_51 : memref<120x80xf32, #tpu.memory_space<vmem>>) dst(%dma_wait3A_48 : memref<120x80xf32, #tpu.memory_space<vmem_shared>>)
      tpu.yield
    }) : () -> ()
    %mul3A_18 = arith.constant 78 : i32
    %mul3A_19 = arith.muli %add3A, %mul3A_18 : i32
    "tpu.region"() ({
      %run_scoped3A = tpu.sem_alloc : memref<!tpu.dma_semaphore, #tpu.memory_space<semaphore_mem>>
      %dma_start3A = arith.constant 0 : i32
      %dma_start3A_34 = arith.constant 0 : i32
      %dma_start3A_35 = tpu.memref_slice %arg6[%dma_start3A, %dma_start3A_34] : memref<79x128xi32, #tpu.memory_space<vmem>> -> memref<78x128xi32, #tpu.memory_space<vmem>>
      %dma_start3A_36 = arith.constant 0 : i32
      %dma_start3A_37 = tpu.memref_slice %arg3[%mul3A_19, %dma_start3A_36] : memref<2500x128xi32, #tpu.memory_space<hbm>> -> memref<78x128xi32, #tpu.memory_space<hbm>>
      %dma_start3A_38 = arith.constant 0 : i32
      %dma_start3A_39 = arith.constant 0 : i32
      %dma_start3A_40 = tpu.memref_slice %arg6[%dma_start3A_38, %dma_start3A_39] : memref<79x128xi32, #tpu.memory_space<vmem>> -> memref<78x128xi32, #tpu.memory_space<vmem>>
      %dma_start3A_41 = arith.constant 0 : i32
      %dma_start3A_42 = tpu.memref_slice %arg3[%mul3A_19, %dma_start3A_41] : memref<2500x128xi32, #tpu.memory_space<hbm>> -> memref<78x128xi32, #tpu.memory_space<hbm>>
      tpu.enqueue_dma source(%dma_start3A_42 : memref<78x128xi32, #tpu.memory_space<hbm>>) target(%dma_start3A_40 : memref<78x128xi32, #tpu.memory_space<vmem>>) target_semaphore(%run_scoped3A : memref<!tpu.dma_semaphore, #tpu.memory_space<semaphore_mem>>)
      %dma_wait3A = arith.constant 0 : i32
      %dma_wait3A_43 = arith.constant 0 : i32
      %dma_wait3A_44 = tpu.memref_slice %arg6[%dma_wait3A, %dma_wait3A_43] : memref<79x128xi32, #tpu.memory_space<vmem>> -> memref<78x128xi32, #tpu.memory_space<vmem>>
      %dma_wait3A_45 = arith.constant 0 : i32
      %dma_wait3A_46 = tpu.memref_slice %arg3[%mul3A_19, %dma_wait3A_45] : memref<2500x128xi32, #tpu.memory_space<hbm>> -> memref<78x128xi32, #tpu.memory_space<hbm>>
      %dma_wait3A_47 = arith.constant 0 : i32
      %dma_wait3A_48 = arith.constant 0 : i32
      %dma_wait3A_49 = tpu.memref_slice %arg6[%dma_wait3A_47, %dma_wait3A_48] : memref<79x128xi32, #tpu.memory_space<vmem>> -> memref<78x128xi32, #tpu.memory_space<vmem>>
      %dma_wait3A_50 = arith.constant 0 : i32
      %dma_wait3A_51 = tpu.memref_slice %arg3[%mul3A_19, %dma_wait3A_50] : memref<2500x128xi32, #tpu.memory_space<hbm>> -> memref<78x128xi32, #tpu.memory_space<hbm>>
      tpu.wait_dma2 semaphore(%run_scoped3A : memref<!tpu.dma_semaphore, #tpu.memory_space<semaphore_mem>>) src(%dma_wait3A_51 : memref<78x128xi32, #tpu.memory_space<hbm>>) dst(%dma_wait3A_49 : memref<78x128xi32, #tpu.memory_space<vmem>>)
      tpu.yield
    }) : () -> ()
    "tpu.region"() ({
      %run_scoped3A = tpu.sem_alloc : memref<!tpu.dma_semaphore, #tpu.memory_space<semaphore_mem>>
      %dma_start3A = arith.constant 0 : i32
      %dma_start3A_34 = arith.constant 0 : i32
      %dma_start3A_35 = tpu.memref_slice %arg7[%dma_start3A, %dma_start3A_34] : memref<79x128xi32, #tpu.memory_space<vmem>> -> memref<78x128xi32, #tpu.memory_space<vmem>>
      %dma_start3A_36 = arith.constant 0 : i32
      %dma_start3A_37 = tpu.memref_slice %arg4[%mul3A_19, %dma_start3A_36] : memref<2500x128xi32, #tpu.memory_space<hbm>> -> memref<78x128xi32, #tpu.memory_space<hbm>>
      %dma_start3A_38 = arith.constant 0 : i32
      %dma_start3A_39 = arith.constant 0 : i32
      %dma_start3A_40 = tpu.memref_slice %arg7[%dma_start3A_38, %dma_start3A_39] : memref<79x128xi32, #tpu.memory_space<vmem>> -> memref<78x128xi32, #tpu.memory_space<vmem>>
      %dma_start3A_41 = arith.constant 0 : i32
      %dma_start3A_42 = tpu.memref_slice %arg4[%mul3A_19, %dma_start3A_41] : memref<2500x128xi32, #tpu.memory_space<hbm>> -> memref<78x128xi32, #tpu.memory_space<hbm>>
      tpu.enqueue_dma source(%dma_start3A_42 : memref<78x128xi32, #tpu.memory_space<hbm>>) target(%dma_start3A_40 : memref<78x128xi32, #tpu.memory_space<vmem>>) target_semaphore(%run_scoped3A : memref<!tpu.dma_semaphore, #tpu.memory_space<semaphore_mem>>)
      %dma_wait3A = arith.constant 0 : i32
      %dma_wait3A_43 = arith.constant 0 : i32
      %dma_wait3A_44 = tpu.memref_slice %arg7[%dma_wait3A, %dma_wait3A_43] : memref<79x128xi32, #tpu.memory_space<vmem>> -> memref<78x128xi32, #tpu.memory_space<vmem>>
      %dma_wait3A_45 = arith.constant 0 : i32
      %dma_wait3A_46 = tpu.memref_slice %arg4[%mul3A_19, %dma_wait3A_45] : memref<2500x128xi32, #tpu.memory_space<hbm>> -> memref<78x128xi32, #tpu.memory_space<hbm>>
      %dma_wait3A_47 = arith.constant 0 : i32
      %dma_wait3A_48 = arith.constant 0 : i32
      %dma_wait3A_49 = tpu.memref_slice %arg7[%dma_wait3A_47, %dma_wait3A_48] : memref<79x128xi32, #tpu.memory_space<vmem>> -> memref<78x128xi32, #tpu.memory_space<vmem>>
      %dma_wait3A_50 = arith.constant 0 : i32
      %dma_wait3A_51 = tpu.memref_slice %arg4[%mul3A_19, %dma_wait3A_50] : memref<2500x128xi32, #tpu.memory_space<hbm>> -> memref<78x128xi32, #tpu.memory_space<hbm>>
      tpu.wait_dma2 semaphore(%run_scoped3A : memref<!tpu.dma_semaphore, #tpu.memory_space<semaphore_mem>>) src(%dma_wait3A_51 : memref<78x128xi32, #tpu.memory_space<hbm>>) dst(%dma_wait3A_49 : memref<78x128xi32, #tpu.memory_space<vmem>>)
      tpu.yield
    }) : () -> ()
    %lt3A = arith.constant 4 : i32
    %lt3A_20 = arith.cmpi slt, %add3A, %lt3A : i32
    %convert_element_type3A = arith.extui %lt3A_20 : i1 to i32
    %cond3A = arith.constant 0 : i32
    %cond3A_21 = arith.cmpi ne, %convert_element_type3A, %cond3A : i32
    scf.if %cond3A_21 {
      %add3A_34 = arith.constant 2496 : i32
      %add3A_35 = arith.addi %add3A_34, %add3A : i32
      "tpu.region"() ({
        %run_scoped3A = tpu.sem_alloc : memref<!tpu.dma_semaphore, #tpu.memory_space<semaphore_mem>>
        %dma_start3A = arith.constant 78 : i32
        %dma_start3A_36 = arith.constant 0 : i32
        %dma_start3A_37 = tpu.memref_slice %arg6[%dma_start3A, %dma_start3A_36] : memref<79x128xi32, #tpu.memory_space<vmem>> -> memref<1x128xi32, #tpu.memory_space<vmem>>
        %dma_start3A_38 = arith.constant 0 : i32
        %dma_start3A_39 = tpu.memref_slice %arg3[%add3A_35, %dma_start3A_38] : memref<2500x128xi32, #tpu.memory_space<hbm>> -> memref<1x128xi32, #tpu.memory_space<hbm>>
        %dma_start3A_40 = arith.constant 78 : i32
        %dma_start3A_41 = arith.constant 0 : i32
        %dma_start3A_42 = tpu.memref_slice %arg6[%dma_start3A_40, %dma_start3A_41] : memref<79x128xi32, #tpu.memory_space<vmem>> -> memref<1x128xi32, #tpu.memory_space<vmem>>
        %dma_start3A_43 = arith.constant 0 : i32
        %dma_start3A_44 = tpu.memref_slice %arg3[%add3A_35, %dma_start3A_43] : memref<2500x128xi32, #tpu.memory_space<hbm>> -> memref<1x128xi32, #tpu.memory_space<hbm>>
        tpu.enqueue_dma source(%dma_start3A_44 : memref<1x128xi32, #tpu.memory_space<hbm>>) target(%dma_start3A_42 : memref<1x128xi32, #tpu.memory_space<vmem>>) target_semaphore(%run_scoped3A : memref<!tpu.dma_semaphore, #tpu.memory_space<semaphore_mem>>)
        %dma_wait3A = arith.constant 78 : i32
        %dma_wait3A_45 = arith.constant 0 : i32
        %dma_wait3A_46 = tpu.memref_slice %arg6[%dma_wait3A, %dma_wait3A_45] : memref<79x128xi32, #tpu.memory_space<vmem>> -> memref<1x128xi32, #tpu.memory_space<vmem>>
        %dma_wait3A_47 = arith.constant 0 : i32
        %dma_wait3A_48 = tpu.memref_slice %arg3[%add3A_35, %dma_wait3A_47] : memref<2500x128xi32, #tpu.memory_space<hbm>> -> memref<1x128xi32, #tpu.memory_space<hbm>>
        %dma_wait3A_49 = arith.constant 78 : i32
        %dma_wait3A_50 = arith.constant 0 : i32
        %dma_wait3A_51 = tpu.memref_slice %arg6[%dma_wait3A_49, %dma_wait3A_50] : memref<79x128xi32, #tpu.memory_space<vmem>> -> memref<1x128xi32, #tpu.memory_space<vmem>>
        %dma_wait3A_52 = arith.constant 0 : i32
        %dma_wait3A_53 = tpu.memref_slice %arg3[%add3A_35, %dma_wait3A_52] : memref<2500x128xi32, #tpu.memory_space<hbm>> -> memref<1x128xi32, #tpu.memory_space<hbm>>
        tpu.wait_dma2 semaphore(%run_scoped3A : memref<!tpu.dma_semaphore, #tpu.memory_space<semaphore_mem>>) src(%dma_wait3A_53 : memref<1x128xi32, #tpu.memory_space<hbm>>) dst(%dma_wait3A_51 : memref<1x128xi32, #tpu.memory_space<vmem>>)
        tpu.yield
      }) : () -> ()
      "tpu.region"() ({
        %run_scoped3A = tpu.sem_alloc : memref<!tpu.dma_semaphore, #tpu.memory_space<semaphore_mem>>
        %dma_start3A = arith.constant 78 : i32
        %dma_start3A_36 = arith.constant 0 : i32
        %dma_start3A_37 = tpu.memref_slice %arg7[%dma_start3A, %dma_start3A_36] : memref<79x128xi32, #tpu.memory_space<vmem>> -> memref<1x128xi32, #tpu.memory_space<vmem>>
        %dma_start3A_38 = arith.constant 0 : i32
        %dma_start3A_39 = tpu.memref_slice %arg4[%add3A_35, %dma_start3A_38] : memref<2500x128xi32, #tpu.memory_space<hbm>> -> memref<1x128xi32, #tpu.memory_space<hbm>>
        %dma_start3A_40 = arith.constant 78 : i32
        %dma_start3A_41 = arith.constant 0 : i32
        %dma_start3A_42 = tpu.memref_slice %arg7[%dma_start3A_40, %dma_start3A_41] : memref<79x128xi32, #tpu.memory_space<vmem>> -> memref<1x128xi32, #tpu.memory_space<vmem>>
        %dma_start3A_43 = arith.constant 0 : i32
        %dma_start3A_44 = tpu.memref_slice %arg4[%add3A_35, %dma_start3A_43] : memref<2500x128xi32, #tpu.memory_space<hbm>> -> memref<1x128xi32, #tpu.memory_space<hbm>>
        tpu.enqueue_dma source(%dma_start3A_44 : memref<1x128xi32, #tpu.memory_space<hbm>>) target(%dma_start3A_42 : memref<1x128xi32, #tpu.memory_space<vmem>>) target_semaphore(%run_scoped3A : memref<!tpu.dma_semaphore, #tpu.memory_space<semaphore_mem>>)
        %dma_wait3A = arith.constant 78 : i32
        %dma_wait3A_45 = arith.constant 0 : i32
        %dma_wait3A_46 = tpu.memref_slice %arg7[%dma_wait3A, %dma_wait3A_45] : memref<79x128xi32, #tpu.memory_space<vmem>> -> memref<1x128xi32, #tpu.memory_space<vmem>>
        %dma_wait3A_47 = arith.constant 0 : i32
        %dma_wait3A_48 = tpu.memref_slice %arg4[%add3A_35, %dma_wait3A_47] : memref<2500x128xi32, #tpu.memory_space<hbm>> -> memref<1x128xi32, #tpu.memory_space<hbm>>
        %dma_wait3A_49 = arith.constant 78 : i32
        %dma_wait3A_50 = arith.constant 0 : i32
        %dma_wait3A_51 = tpu.memref_slice %arg7[%dma_wait3A_49, %dma_wait3A_50] : memref<79x128xi32, #tpu.memory_space<vmem>> -> memref<1x128xi32, #tpu.memory_space<vmem>>
        %dma_wait3A_52 = arith.constant 0 : i32
        %dma_wait3A_53 = tpu.memref_slice %arg4[%add3A_35, %dma_wait3A_52] : memref<2500x128xi32, #tpu.memory_space<hbm>> -> memref<1x128xi32, #tpu.memory_space<hbm>>
        tpu.wait_dma2 semaphore(%run_scoped3A : memref<!tpu.dma_semaphore, #tpu.memory_space<semaphore_mem>>) src(%dma_wait3A_53 : memref<1x128xi32, #tpu.memory_space<hbm>>) dst(%dma_wait3A_51 : memref<1x128xi32, #tpu.memory_space<vmem>>)
        tpu.yield
      }) : () -> ()
    } else {
    }
    %barrier3A = arith.constant 0 : index
    tpu.barrier barrier_id(%barrier3A)
    %scan3A_22 = arith.constant 0 : i32
    %scan3A_23 = arith.constant 0 : i32
    %scan3A_24 = arith.constant 78 : i32
    %scan3A_25 = arith.addi %scan3A_23, %scan3A_24 : i32
    %scan3A_26 = arith.constant 1 : i32
    scf.for %scan3A_34 = %scan3A_23 to %scan3A_25 step %scan3A_26  : i32 {
      %dma_start3A = arith.constant 0 : i32
      %dma_start3A_35 = tpu.memref_slice %arg6[%scan3A_34, %dma_start3A] : memref<79x128xi32, #tpu.memory_space<vmem>> -> memref<1x128xi32, #tpu.memory_space<vmem>>
      %dma_start3A_36 = tpu.memref_squeeze %dma_start3A_35 : memref<1x128xi32, #tpu.memory_space<vmem>> -> memref<128xi32, #tpu.memory_space<vmem>>
      %dma_start3A_37 = arith.constant 0 : i32
      %dma_start3A_38 = arith.constant 0 : i32
      %dma_start3A_39 = tpu.memref_slice %arg2[%dma_start3A_37, %dma_start3A_38] : memref<10112x80xf32, #tpu.memory_space<hbm>> -> memref<10112x80xf32, #tpu.memory_space<hbm>>
      tpu.enqueue_indirect_dma source(%dma_start3A_39 : memref<10112x80xf32, #tpu.memory_space<hbm>>) target(%arg8 : memref<128x80xf32, #tpu.memory_space<vmem>>) offsets(%dma_start3A_36 : memref<128xi32, #tpu.memory_space<vmem>>) semaphore(%arg10 : memref<!tpu.dma_semaphore, #tpu.memory_space<semaphore_mem>>)
      %dma_wait3A = arith.constant 0 : i32
      %dma_wait3A_40 = tpu.memref_slice %arg6[%scan3A_34, %dma_wait3A] : memref<79x128xi32, #tpu.memory_space<vmem>> -> memref<1x128xi32, #tpu.memory_space<vmem>>
      %dma_wait3A_41 = tpu.memref_squeeze %dma_wait3A_40 : memref<1x128xi32, #tpu.memory_space<vmem>> -> memref<128xi32, #tpu.memory_space<vmem>>
      %dma_wait3A_42 = arith.constant 0 : i32
      %dma_wait3A_43 = arith.constant 0 : i32
      %dma_wait3A_44 = tpu.memref_slice %arg2[%dma_wait3A_42, %dma_wait3A_43] : memref<10112x80xf32, #tpu.memory_space<hbm>> -> memref<10112x80xf32, #tpu.memory_space<hbm>>
      tpu.wait_indirect_dma semaphore(%arg10 : memref<!tpu.dma_semaphore, #tpu.memory_space<semaphore_mem>>) src(%dma_wait3A_44 : memref<10112x80xf32, #tpu.memory_space<hbm>>) dst(%arg8 : memref<128x80xf32, #tpu.memory_space<vmem>>)
      "tpu.region"() ({
        %run_scoped3A = tpu.sem_alloc : memref<!tpu.dma_semaphore, #tpu.memory_space<semaphore_mem>>
        %dma_start3A_45 = arith.constant 0 : i32
        %dma_start3A_46 = tpu.memref_slice %arg7[%scan3A_34, %dma_start3A_45] : memref<79x128xi32, #tpu.memory_space<vmem>> -> memref<1x128xi32, #tpu.memory_space<vmem>>
        %dma_start3A_47 = tpu.memref_squeeze %dma_start3A_46 : memref<1x128xi32, #tpu.memory_space<vmem>> -> memref<128xi32, #tpu.memory_space<vmem>>
        %dma_start3A_48 = arith.constant 0 : i32
        %dma_start3A_49 = arith.constant 0 : i32
        %dma_start3A_50 = tpu.memref_slice %arg9[%dma_start3A_48, %dma_start3A_49] : memref<10112x80xf32, #tpu.memory_space<vmem_shared>> -> memref<10112x80xf32, #tpu.memory_space<vmem_shared>>
        tpu.enqueue_indirect_dma source(%arg8 : memref<128x80xf32, #tpu.memory_space<vmem>>) target(%dma_start3A_50 : memref<10112x80xf32, #tpu.memory_space<vmem_shared>>) offsets(%dma_start3A_47 : memref<128xi32, #tpu.memory_space<vmem>>) semaphore(%run_scoped3A : memref<!tpu.dma_semaphore, #tpu.memory_space<semaphore_mem>>) {add = true}
        %dma_wait3A_51 = arith.constant 0 : i32
        %dma_wait3A_52 = tpu.memref_slice %arg7[%scan3A_34, %dma_wait3A_51] : memref<79x128xi32, #tpu.memory_space<vmem>> -> memref<1x128xi32, #tpu.memory_space<vmem>>
        %dma_wait3A_53 = tpu.memref_squeeze %dma_wait3A_52 : memref<1x128xi32, #tpu.memory_space<vmem>> -> memref<128xi32, #tpu.memory_space<vmem>>
        %dma_wait3A_54 = arith.constant 0 : i32
        %dma_wait3A_55 = arith.constant 0 : i32
        %dma_wait3A_56 = tpu.memref_slice %arg9[%dma_wait3A_54, %dma_wait3A_55] : memref<10112x80xf32, #tpu.memory_space<vmem_shared>> -> memref<10112x80xf32, #tpu.memory_space<vmem_shared>>
        tpu.wait_indirect_dma semaphore(%run_scoped3A : memref<!tpu.dma_semaphore, #tpu.memory_space<semaphore_mem>>) src(%arg8 : memref<128x80xf32, #tpu.memory_space<vmem>>) dst(%dma_wait3A_56 : memref<10112x80xf32, #tpu.memory_space<vmem_shared>>)
        tpu.yield
      }) : () -> ()
    }
    %scan3A_27 = arith.constant 78 : i32
    %lt3A_28 = arith.constant 4 : i32
    %lt3A_29 = arith.cmpi slt, %add3A, %lt3A_28 : i32
    %convert_element_type3A_30 = arith.extui %lt3A_29 : i1 to i32
    %cond3A_31 = arith.constant 0 : i32
    %cond3A_32 = arith.cmpi ne, %convert_element_type3A_30, %cond3A_31 : i32
    scf.if %cond3A_32 {
      %dma_start3A = arith.constant 78 : i32
      %dma_start3A_34 = arith.constant 0 : i32
      %dma_start3A_35 = tpu.memref_slice %arg6[%dma_start3A, %dma_start3A_34] : memref<79x128xi32, #tpu.memory_space<vmem>> -> memref<1x128xi32, #tpu.memory_space<vmem>>
      %dma_start3A_36 = tpu.memref_squeeze %dma_start3A_35 : memref<1x128xi32, #tpu.memory_space<vmem>> -> memref<128xi32, #tpu.memory_space<vmem>>
      %dma_start3A_37 = arith.constant 0 : i32
      %dma_start3A_38 = arith.constant 0 : i32
      %dma_start3A_39 = tpu.memref_slice %arg2[%dma_start3A_37, %dma_start3A_38] : memref<10112x80xf32, #tpu.memory_space<hbm>> -> memref<10112x80xf32, #tpu.memory_space<hbm>>
      tpu.enqueue_indirect_dma source(%dma_start3A_39 : memref<10112x80xf32, #tpu.memory_space<hbm>>) target(%arg8 : memref<128x80xf32, #tpu.memory_space<vmem>>) offsets(%dma_start3A_36 : memref<128xi32, #tpu.memory_space<vmem>>) semaphore(%arg10 : memref<!tpu.dma_semaphore, #tpu.memory_space<semaphore_mem>>)
      %dma_wait3A = arith.constant 78 : i32
      %dma_wait3A_40 = arith.constant 0 : i32
      %dma_wait3A_41 = tpu.memref_slice %arg6[%dma_wait3A, %dma_wait3A_40] : memref<79x128xi32, #tpu.memory_space<vmem>> -> memref<1x128xi32, #tpu.memory_space<vmem>>
      %dma_wait3A_42 = tpu.memref_squeeze %dma_wait3A_41 : memref<1x128xi32, #tpu.memory_space<vmem>> -> memref<128xi32, #tpu.memory_space<vmem>>
      %dma_wait3A_43 = arith.constant 0 : i32
      %dma_wait3A_44 = arith.constant 0 : i32
      %dma_wait3A_45 = tpu.memref_slice %arg2[%dma_wait3A_43, %dma_wait3A_44] : memref<10112x80xf32, #tpu.memory_space<hbm>> -> memref<10112x80xf32, #tpu.memory_space<hbm>>
      tpu.wait_indirect_dma semaphore(%arg10 : memref<!tpu.dma_semaphore, #tpu.memory_space<semaphore_mem>>) src(%dma_wait3A_45 : memref<10112x80xf32, #tpu.memory_space<hbm>>) dst(%arg8 : memref<128x80xf32, #tpu.memory_space<vmem>>)
      %run_scoped3A = arith.constant 78 : i32
      "tpu.region"() ({
        %run_scoped3A_46 = tpu.sem_alloc : memref<!tpu.dma_semaphore, #tpu.memory_space<semaphore_mem>>
        %dma_start3A_47 = arith.constant 0 : i32
        %dma_start3A_48 = tpu.memref_slice %arg7[%run_scoped3A, %dma_start3A_47] : memref<79x128xi32, #tpu.memory_space<vmem>> -> memref<1x128xi32, #tpu.memory_space<vmem>>
        %dma_start3A_49 = tpu.memref_squeeze %dma_start3A_48 : memref<1x128xi32, #tpu.memory_space<vmem>> -> memref<128xi32, #tpu.memory_space<vmem>>
        %dma_start3A_50 = arith.constant 0 : i32
        %dma_start3A_51 = arith.constant 0 : i32
        %dma_start3A_52 = tpu.memref_slice %arg9[%dma_start3A_50, %dma_start3A_51] : memref<10112x80xf32, #tpu.memory_space<vmem_shared>> -> memref<10112x80xf32, #tpu.memory_space<vmem_shared>>
        tpu.enqueue_indirect_dma source(%arg8 : memref<128x80xf32, #tpu.memory_space<vmem>>) target(%dma_start3A_52 : memref<10112x80xf32, #tpu.memory_space<vmem_shared>>) offsets(%dma_start3A_49 : memref<128xi32, #tpu.memory_space<vmem>>) semaphore(%run_scoped3A_46 : memref<!tpu.dma_semaphore, #tpu.memory_space<semaphore_mem>>) {add = true}
        %dma_wait3A_53 = arith.constant 0 : i32
        %dma_wait3A_54 = tpu.memref_slice %arg7[%run_scoped3A, %dma_wait3A_53] : memref<79x128xi32, #tpu.memory_space<vmem>> -> memref<1x128xi32, #tpu.memory_space<vmem>>
        %dma_wait3A_55 = tpu.memref_squeeze %dma_wait3A_54 : memref<1x128xi32, #tpu.memory_space<vmem>> -> memref<128xi32, #tpu.memory_space<vmem>>
        %dma_wait3A_56 = arith.constant 0 : i32
        %dma_wait3A_57 = arith.constant 0 : i32
        %dma_wait3A_58 = tpu.memref_slice %arg9[%dma_wait3A_56, %dma_wait3A_57] : memref<10112x80xf32, #tpu.memory_space<vmem_shared>> -> memref<10112x80xf32, #tpu.memory_space<vmem_shared>>
        tpu.wait_indirect_dma semaphore(%run_scoped3A_46 : memref<!tpu.dma_semaphore, #tpu.memory_space<semaphore_mem>>) src(%arg8 : memref<128x80xf32, #tpu.memory_space<vmem>>) dst(%dma_wait3A_58 : memref<10112x80xf32, #tpu.memory_space<vmem_shared>>)
        tpu.yield
      }) : () -> ()
    } else {
    }
    %barrier3A_33 = arith.constant 0 : index
    tpu.barrier barrier_id(%barrier3A_33)
    "tpu.region"() ({
      %run_scoped3A = tpu.sem_alloc : memref<!tpu.dma_semaphore, #tpu.memory_space<semaphore_mem>>
      %dma_start3A = arith.constant 0 : i32
      %dma_start3A_34 = tpu.memref_slice %arg5[%arg0, %mul3A_7, %dma_start3A] : memref<2x10112x80xf32, #tpu.memory_space<hbm>> -> memref<1x632x80xf32, #tpu.memory_space<hbm>>
      %dma_start3A_35 = tpu.memref_squeeze %dma_start3A_34 : memref<1x632x80xf32, #tpu.memory_space<hbm>> -> memref<632x80xf32, #tpu.memory_space<hbm>>
      %dma_start3A_36 = arith.constant 0 : i32
      %dma_start3A_37 = tpu.memref_slice %arg9[%mul3A_7, %dma_start3A_36] : memref<10112x80xf32, #tpu.memory_space<vmem_shared>> -> memref<632x80xf32, #tpu.memory_space<vmem_shared>>
      tpu.enqueue_dma source(%dma_start3A_37 : memref<632x80xf32, #tpu.memory_space<vmem_shared>>) target(%dma_start3A_35 : memref<632x80xf32, #tpu.memory_space<hbm>>) target_semaphore(%run_scoped3A : memref<!tpu.dma_semaphore, #tpu.memory_space<semaphore_mem>>)
      %dma_wait3A = arith.constant 0 : i32
      %dma_wait3A_38 = tpu.memref_slice %arg5[%arg0, %mul3A_7, %dma_wait3A] : memref<2x10112x80xf32, #tpu.memory_space<hbm>> -> memref<1x632x80xf32, #tpu.memory_space<hbm>>
      %dma_wait3A_39 = tpu.memref_squeeze %dma_wait3A_38 : memref<1x632x80xf32, #tpu.memory_space<hbm>> -> memref<632x80xf32, #tpu.memory_space<hbm>>
      %dma_wait3A_40 = arith.constant 0 : i32
      %dma_wait3A_41 = tpu.memref_slice %arg9[%mul3A_7, %dma_wait3A_40] : memref<10112x80xf32, #tpu.memory_space<vmem_shared>> -> memref<632x80xf32, #tpu.memory_space<vmem_shared>>
      tpu.wait_dma2 semaphore(%run_scoped3A : memref<!tpu.dma_semaphore, #tpu.memory_space<semaphore_mem>>) src(%dma_wait3A_41 : memref<632x80xf32, #tpu.memory_space<vmem_shared>>) dst(%dma_wait3A_39 : memref<632x80xf32, #tpu.memory_space<hbm>>)
      tpu.yield
    }) : () -> ()
    return
  }
}

</mosaic_0001>

<sc_bundles>
// kernel: _sc_agg.3.cloned.1.call-start
scs
__scs_entry_jumppad:
0x0: {  	(pc) =	sbr.rel $0x88, $3  }
0x1: {  	(tag) =	ssettag $0x0;
	lr =	simm.s32 $0x1  }
0x2: {  	[smem:$0x3F9E] =	sst lr;
	_ =	strace $0xD0000000  }
0x3: {  	_ = 	snop  }
0x4: {  	_ = 	snop  }
0x5: {  	_ = 	snop  }
0x6: {  	_ = 	snop  }
0x7: {  	_ = 	snop  }
__scs_overlays_trampoline_lowered:
0x8: {  	[smem:$0x3FAD] =	sst s0  }
0x9: {  	[smem:$0x3FAE] =	sst s1  }
0xa: {  	[smem:$0x3FAF] =	sst s2  }
0xb: {  	[smem:$0x3FB0] =	sst s3  }
0xc: {  	[smem:$0x3FB1] =	sst s4  }
0xd: {  	[smem:$0x3FB2] =	sst s5  }
0xe: {  	[smem:$0x3FB3] =	sst s6  }
0xf: {  	[smem:$0x3FB4] =	sst s7  }
0x10: {  	[smem:$0x3FB5] =	sst s8  }
0x11: {  	[smem:$0x3FB6] =	sst s9;
	s0 =	simm.s32 @!p0 $0x0  }
0x12: {  	s1 =	sld [smem:$0x3F9C];
	s0 =	simm.s32 @p0 $0x1  }
0x13: {  	[smem:$0x3FB7] =	sst s0;
	s0 =	simm.s32 @!p1 $0x0  }
0x14: {  	s2 =	sld [smem:$0x3F9B];
	s0 =	simm.s32 @p1 $0x1  }
0x15: {  	[smem:$0x3FB8] =	sst s0;
	s0 =	simm.s32 @!p2 $0x0  }
0x16: {  	s3 =	sld [smem:$0x3FDB];
	s0 =	simm.s32 @p2 $0x1  }
0x17: {  	s4 =	simm.s32 $0x1BF5;
	[smem:$0x3FBA] =	sst s0  }
0x18: {  	s0 =	sld [smem:$0x3F9D];
	_ =	swait.ge [sflag:s4], $0x0  }
0x19: {  	s7 =	sld [smem:$0x3F9E]  }
0x1a: {  	s8 =	sadd.s32 $0xFFFFE003, lr  }
0x1b: {  	s9 =	sadd.s32 $0xFFFFFEF7, lr;
	s5 =	simm.s32 $0xFFFFFFFF;
	p2 =	slt.u32 s8, $0xFFFFF086  }
0x1c: {  	p1 =	slt.u32 s9, $0xF7A;
	s5 =	simm.s32 @!p2 $0x0  }
0x1d: {  	s5 =	simm.s32 @p1 $0x1;
	p0 =	seq.s32 s7, s2  }
0x1e: {  	s7 =	smul.u32 @!p0 $0xF7A, s2;
	p2 =	seq.s32 @!p0 s5, $0x0  }
0x1f: {  	s9 =	smul.u32 $0xF7A, s1;
	s8 =	simm.s32 @!p0 $0x1BF5;
	p2 =	por !p2, p0  }
0x20: {  	[sflag:s8] =	ssyncset.s32 @!p0 $0xFFFFF086;
	s6 =	sadd.s32 @!p0 s3, s7;
	s7 =	simm.s32 @!p0 $0x108  }
0x21: {  	s3 =	sadd.s32 s3, s9;
	s6 =	sadd.s32 @!p0 $0x88, s6;
	s7 =	simm.s32 @p2 $0x1082  }
0x22: {  	[simem:s7], [sflag:s8] =	dma.local @!p0 [hbm:s6], $0xF7A  }
0x23: {  	s9 =	sor.u32 $0xD0000000, s2;
	s6 =	simm.s32 $0x108;
	_ =	swait.ge @!p0 [sflag:s8], $0x0  }
0x24: {  	s3 =	sadd.s32 $0x88, s3;
	s6 =	simm.s32 @!p1 $0x1082;
	[sflag:s4] =	ssyncset.s32 $0xFFFFF086  }
0x25: {  	[simem:s6], [sflag:s4] =	dma.local [hbm:s3], $0xF7A  }
0x26: {  	[smem:$0x3F9E] =	sst s1;
	(tag) =	ssettag s2;
	_ =	strace s9  }
0x27: {  	s1 =	sld [smem:$0x3FAE]  }
0x28: {  	s2 =	sld [smem:$0x3FAF]  }
0x29: {  	s4 =	sld [smem:$0x3FB1]  }
0x2a: {  	p0 =	seq.s32 s5, $0x0;
	s5 =	sld [smem:$0x3FB2]  }
0x2b: {  	s6 =	sld [smem:$0x3FB3]  }
0x2c: {  	s7 =	sld [smem:$0x3FB4]  }
0x2d: {  	s3 =	simm.s32 $0x108;
	s8 =	sld [smem:$0x3FB5]  }
0x2e: {  	s3 =	simm.s32 @!p0 $0x1082;
	s9 =	sld [smem:$0x3FB6]  }
0x2f: {  	lr =	sadd.s32 s0, s3;
	s0 =	sld [smem:$0x3FAD]  }
0x30: {  	s3 =	sld [smem:$0x3FB0]  }
0x31: {  	[smem:$0x3FB9] =	sst s10  }
0x32: {  	s10 =	sld [smem:$0x3FB7];
	_ =	sdelay $0x3  }
0x33: {  	p0 =	seq.s32 s10, $0x1;
	s10 =	sld [smem:$0x3FB9];
	_ =	sdelay $0x3  }
0x34: {  	[smem:$0x3FB9] =	sst s10  }
0x35: {  	s10 =	sld [smem:$0x3FB8];
	_ =	sdelay $0x3  }
0x36: {  	p1 =	seq.s32 s10, $0x1;
	s10 =	sld [smem:$0x3FB9];
	_ =	sdelay $0x3  }
0x37: {  	[smem:$0x3FB9] =	sst s10  }
0x38: {  	s10 =	sld [smem:$0x3FBA]  }
0x39: {  	_ = 	snop;
	(pc) =	sbr.ind lr, $3  }
0x3a: {  	_ = 	snop  }
0x3b: {  	_ = 	snop  }
0x3c: {  	p2 =	seq.s32 s10, $0x1;
	s10 =	sld [smem:$0x3FB9]  }
0x3d: {  	_ =	shalt  }
0x3e: {  	_ =	shalt  }
0x3f: {  	_ =	shalt  }
0x40: {  	_ =	shalt  }
0x41: {  	_ =	shalt  }
0x42: {  	_ =	shalt  }
0x43: {  	_ =	shalt  }
0x44: {  	_ =	shalt  }
0x45: {  	_ =	shalt  }
0x46: {  	_ =	shalt  }
0x47: {  	_ =	shalt  }
0x48: {  	_ =	shalt  }
0x49: {  	_ =	shalt  }
0x4a: {  	_ =	shalt  }
0x4b: {  	_ =	shalt  }
0x4c: {  	_ =	shalt  }
0x4d: {  	_ =	shalt  }
0x4e: {  	_ =	shalt  }
0x4f: {  	_ =	shalt  }
0x50: {  	_ =	shalt  }
0x51: {  	_ =	shalt  }
0x52: {  	_ =	shalt  }
0x53: {  	_ =	shalt  }
0x54: {  	_ =	shalt  }
0x55: {  	_ =	shalt  }
0x56: {  	_ =	shalt  }
0x57: {  	_ =	shalt  }
0x58: {  	_ =	shalt  }
0x59: {  	_ =	shalt  }
0x5a: {  	_ =	shalt  }
0x5b: {  	_ =	shalt  }
0x5c: {  	_ =	shalt  }
0x5d: {  	_ =	shalt  }
0x5e: {  	_ =	shalt  }
0x5f: {  	_ =	shalt  }
0x60: {  	_ =	shalt  }
0x61: {  	_ =	shalt  }
0x62: {  	_ =	shalt  }
0x63: {  	_ =	shalt  }
0x64: {  	_ =	shalt  }
0x65: {  	_ =	shalt  }
0x66: {  	_ =	shalt  }
0x67: {  	_ =	shalt  }
0x68: {  	_ =	shalt  }
0x69: {  	_ =	shalt  }
0x6a: {  	_ =	shalt  }
0x6b: {  	_ =	shalt  }
0x6c: {  	_ =	shalt  }
0x6d: {  	_ =	shalt  }
0x6e: {  	_ =	shalt  }
0x6f: {  	_ =	shalt  }
0x70: {  	_ =	shalt  }
0x71: {  	_ =	shalt  }
0x72: {  	_ =	shalt  }
0x73: {  	_ =	shalt  }
0x74: {  	_ =	shalt  }
0x75: {  	_ =	shalt  }
0x76: {  	_ =	shalt  }
0x77: {  	_ =	shalt  }
0x78: {  	_ =	shalt  }
0x79: {  	_ =	shalt  }
0x7a: {  	_ =	shalt  }
0x7b: {  	_ =	shalt  }
0x7c: {  	_ =	shalt  }
0x7d: {  	_ =	shalt  }
0x7e: {  	_ =	shalt  }
0x7f: {  	_ =	shalt  }
0x80: {  	_ =	shalt  }
0x81: {  	_ =	shalt  }
0x82: {  	_ =	shalt  }
0x83: {  	_ =	shalt  }
0x84: {  	_ =	shalt  }
0x85: {  	_ =	shalt  }
0x86: {  	_ =	shalt  }
0x87: {  	_ =	shalt  }
.Lfunc_end0:
.L_simem_size_0:
called_computation_lowered:
.L_overlay_start_0:
0x88: {  	s2 =	sld [smem:$0x3FD9]  }
0x89: {  	s3 =	sld [smem:$0x3FFE];
	_ =	sdelay $0x1  }
0x8a: {  	s1 =	srdreg.scid  }
0x8b: {  	s0 =	sand.u32 $0x1, s1  }
0x8c: {  	s17 =	sshll.u32 s0, $0xA;
	s2 =	sadd.s32 s3, s2  }
0x8d: {  	s2 =	sadd.s32 s2, s17  }
0x8e: {  	[smem:$0x3FC5] =	sst s2  }
0x8f: {  	_ = 	snop  }
0x90: {  	s2 =	sld [smem:$0x3FC8]  }
0x91: {  	s18 =	sld [smem:$0x3FC7]  }
0x92: {  	s4 =	sld [smem:$0x3FD0];
	(tm) =	ssettm $0x1  }
0x93: {  	s5 =	sld [smem:$0x3FFB];
	_ =	sdelay $0x3  }
0x94: {  	_ =	strace s5  }
0x95: {  	s5 =	sld [smem:$0x3FFC];
	_ =	sdelay $0x3  }
0x96: {  	_ =	strace s5  }
0x97: {  	s5 =	sld [smem:$0x3FFD];
	_ =	sdelay $0x3  }
0x98: {  	_ =	strace s5  }
0x99: {  	_ =	strace $0x8FFFFFFF  }
0x9a: {  	s19 =	sld [smem:$0x3FDB];
	_ =	sdelay $0x1  }
0x9b: {  	s6 =	simm.s32 $_scs_section_size  }
0x9c: {  	s7 =	simm.s32 $_size__tile_overlayer_lowered;
	s8 =	simm.s32 $_tile_overlayer_lowered  }
0x9d: {  	s22 =	simm.s32 $0x1BFF;
	s21 =	sshll.u32 s8, $0x1;
	s5 =	sadd.s32 s6, s19  }
0x9e: {  	s9 =	simm.s32 $0x0;
	s20 =	sshll.u32 s7, $0x1;
	s7 =	sadd.s32 s21, s5  }
0x9f: {  	[timem:s9], [sflag:s22] =	dma.local [hbm:s7], s20  }
0xa0: {  	_ =	swait.ge [sflag:s22], s20  }
0xa1: {  	s6 =	ssub.s32 $0x0, s20;
	[sflag:s22] =	ssyncset.done $0x0  }
0xa2: {  	[sflag:s22] =	ssyncadd.s32 s6;
	_ =	sdelay $0x1  }
0xa3: {  	s23 =	simm.s32 $0x1B8B  }
0xa4: {  	_ =	swait.ge [sflag:s23], $0x1  }
0xa5: {  	[sflag:s23] =	ssyncset.done $0x0  }
0xa6: {  	s25 =	simm.s32 $0x1B8E;
	s24 =	sld [smem:$0x3FFE];
	[sflag:s23] =	ssyncadd.s32 $0xFFFFFFFF  }
0xa7: {  	s26 =	simm.s32 $execute0_lowered;
	[smem:$0x3FD2] =	sst s25  }
0xa8: {  	s7 =	sshll.u32 s26, $0x1;
	_ =	strace $0x80000046;
	[dreg:$0x1] =	wrdreg $0xFFFFFFFF  }
0xa9: {  	s28 =	simm.s32 $_size_execute0_lowered;
	s5 =	sadd.s32 s5, s7;
	[dreg:$0x0] =	wrdreg $0x0  }
0xaa: {  	s7 =	sshll.u32 s28, $0x1;
	[dreg:$0x2] =	wrdreg s5  }
0xab: {  	[dreg:$0x3] =	wrdreg s7  }
0xac: {  	[dreg:$0x4] =	wrdreg $0xC0  }
0xad: {  	_ =	task [dreg:s9], $0x5FFFF  }
0xae: {  	[dreg:$0x1] =	wrdreg $0xFFFFFFFF  }
0xaf: {  	[dreg:$0x0] =	wrdreg $0x60  }
0xb0: {  	[dreg:$0x2] =	wrdreg s24  }
0xb1: {  	[dreg:$0x3] =	wrdreg s2  }
0xb2: {  	[dreg:$0x4] =	wrdreg s18  }
0xb3: {  	[dreg:$0x5] =	wrdreg s4  }
0xb4: {  	[dreg:$0x6] =	wrdreg $0x77000  }
0xb5: {  	[dreg:$0x7] =	wrdreg $0x9  }
0xb6: {  	_ =	task.clear_ibuf [dreg:s9], $0x8FFFF;
	_ =	strace $0x90000046  }
0xb7: {  	s29 =	simm.s32 $0x9;
	_ =	strace $0x80000048  }
0xb8: {  	_ =	swait.ge [sflag:s29], $0x1  }
0xb9: {  	[sflag:s29] =	ssyncadd.s32 $0xFFFFFFFF  }
0xba: {  	_ =	strace $0x90000048  }
0xbb: {  	_ =	sfence  }
0xbc: {  	s30 =	sld [smem:$0x0];
	_ =	sdelay $0x2  }
0xbd: {  	s31 =	sshll.u32 s1, $0xD;
	s1 =	sshrl.u32 s1, $0x2  }
0xbe: {  	s3 =	sand.u32 $0x4000, s31;
	s1 =	sadd.s32 s1, s30  }
0xbf: {  	s0 =	sor.u32 s3, s0;
	s1 =	sshll.u32 s1, $0x11  }
0xc0: {  	s0 =	sor.u32 s1, s0  }
0xc1: {  	s0 =	sadd.s32 $0x8F2B, s0  }
0xc2: {  	[sflag:s0] =	ssyncadd.remote.s32 $0x1  }
0xc3: {  	_ =	sfence.sel $0xFFFF  }
0xc4: {  	[dreg:$0x0] =	wrdreg $0xFFFFFFFF;
	(pc) =	sbr.abs _section_cstart, $3  }
0xc5: {  	[dreg:$0x1] =	wrdreg $0xFFFFFFFF  }
0xc6: {  	_ =	task.clear_ibuf [dreg:s9], $0x2FFFF;
	_ =	strace $0x9FFFFFFF  }
0xc7: {  	(tm) =	ssettm $0x7FFFFFFF  }
tec
execute0_lowered:
.L_overlay_start_1:
0x0: {  	(tag) =	ssettag $0x1  }
0x1: {  	s4 =	rddreg [dreg:$0x0]  }
0x2: {  	s12 =	rddreg [dreg:$0x1]  }
0x3: {  	s13 =	rddreg [dreg:$0x2]  }
0x4: {  	s14 =	rddreg [dreg:$0x3]  }
0x5: {  	s2 =	rddreg [dreg:$0x4]  }
0x6: {  	s0 =	rddreg [dreg:$0x5];
	s5 =	srdreg.scid  }
0x7: {  	s3 =	simm.s32 $0x0;
	s1 =	stileid.u32;
	s20 =	simm.s32 $0x1  }
0x8: {  	s21 =	simm.s32 $0x0;
	s9 =	sand.u32 $0x1, s5;
	s6 =	smul.u32 $0x31600, s1  }
0x9: {  	[smem:$0x7FF] =	sst s3;
	s4 =	sadd.s32 $0x400, s4;
	s15 =	smul.u32 $0xC580, s1  }
0xa: {  	s19 =	sshll.u32 s1, $0x4;
	s5 =	ssub.s32 $0x2, s9;
	_ =	strace $0x80000047  }
0xb: {  	s8 =	sshll.u32 s9, $0x4;
	s18 =	smul.u32 $0xC5800, s9;
	s19 =	sor.u32 $0x9C00, s19  }
0xc: {  	s7 =	sshrl.u32 s5, $0x1;
	s6 =	sshrl.u32 s6, $0x2;
	s17 =	sor.u32 s1, s8  }
0xd: {  	s16 =	ssub.s32 s5, s7;
	s10 =	sadd.s32 s6, s2;
	s5 =	sadd.s32 s15, s2  }
0xe: {  	s11 =	smul.u32 $0x4E0, s17;
	s15 =	sadd.s32 s15, s18;
	p0 =	sgt.u32 s17, $0x3  }
0xf: {  	s17 =	simm.s32 $0x2;
	s18 =	simm.s32 $0x2780;
	s6 =	sadd.s32 $0x2800, s10  }
0x10: {  	s7 =	sadd.s32 $0x5000, s10;
	s8 =	sadd.s32 $0x7800, s10;
	s9 =	sadd.s32 $0xA000, s10  }
0x11: {  	s15 =	sshrl.u32 s15, $0x3;
	s10 =	sadd.s32 s12, s11;
	s11 =	sadd.s32 s13, s11  }
0x12: {  	s12 =	sadd.s32 s12, s19;
	s13 =	sadd.s32 s13, s19;
	s14 =	sadd.s32 s14, s15  }
0x13: {  	v0 =	vimm.f32 $0.0e+00;
	s15 =	smax.u32 s16, $0x1;
	s16 =	simm.s32 $0x4F00;
	s19 =	simm.s32 $0x80  }
.LBB2_1:
0x14: {  	s22 =	simm.s32 $0x0;
	s25 =	simm.s32 $0x1  }
0x15: {  	s26 =	simm.s32 $0x2;
	s23 =	smul.u32 $0xCCCD, s22;
	s25 =	sand.u32 $0xFFFF, s25  }
0x16: {  	s29 =	simm.s32 $0x3;
	s26 =	sand.u32 $0xFFFF, s26;
	s25 =	smul.u32 $0xCCCD, s25  }
0x17: {  	s30 =	simm.s32 $0x4;
	s29 =	sand.u32 $0xFFFF, s29;
	s26 =	smul.u32 $0xCCCD, s26  }
0x18: {  	s30 =	sand.u32 $0xFFFF, s30;
	s29 =	smul.u32 $0xCCCD, s29  }
0x19: {  	s30 =	smul.u32 $0xCCCD, s30;
	s24 =	sshrl.u32 s23, $0x12  }
0x1a: {  	s23 =	simm.s32 $0x5;
	s24 =	smul.u32 $0x140, s24  }
0x1b: {  	s28 =	smul.u32 $0xCCCD, s23;
	s25 =	sshrl.u32 s25, $0x12  }
0x1c: {  	s26 =	sshrl.u32 s26, $0x12;
	s25 =	smul.u32 $0x140, s25  }
0x1d: {  	s29 =	sshrl.u32 s29, $0x12;
	s26 =	smul.u32 $0x140, s26;
	s24 =	sshrl.u32 s24, $0x2  }
0x1e: {  	s31 =	sshrl.u32 s30, $0x12;
	[tilespmem:s24+$0x4F00] =	vst v0;
	s25 =	sshrl.u32 s25, $0x2;
	s24 =	smul.u32 $0x140, s29  }
0x1f: {  	s28 =	sshrl.u32 s28, $0x12;
	s26 =	sshrl.u32 s26, $0x2;
	[tilespmem:s25+$0x4F10] =	vst v0;
	s25 =	smul.u32 $0x140, s31  }
.LBB2_2:
0x20: {  	s28 =	smul.u32 $0x140, s28  }
0x21: {  	[tilespmem:s26+$0x4F20] =	vst v0;
	s24 =	sshrl.u32 s24, $0x2;
	s26 =	smov.u32 s23;
	s23 =	sadd.s32 $0x5, s23  }
0x22: {  	s29 =	sadd.s32 $0x6, s22;
	s30 =	sadd.s32 $0x7, s22;
	[tilespmem:s24+$0x4F30] =	vst v0;
	s24 =	sshrl.u32 s25, $0x2  }
0x23: {  	s25 =	smul.u32 $0xCCCD, s23;
	s29 =	sand.u32 $0xFFFF, s29;
	s28 =	sshrl.u32 s28, $0x2;
	[tilespmem:s24+$0x4F40] =	vst v0  }
0x24: {  	s24 =	smul.u32 $0xCCCD, s29;
	s29 =	sadd.s32 $0x8, s22;
	[tilespmem:s28+$0x4F00] =	vst v0;
	s28 =	sand.u32 $0xFFFF, s30  }
0x25: {  	s22 =	sadd.s32 $0x9, s22;
	s29 =	sand.u32 $0xFFFF, s29;
	s28 =	smul.u32 $0xCCCD, s28  }
0x26: {  	s22 =	sand.u32 $0xFFFF, s22;
	s29 =	smul.u32 $0xCCCD, s29  }
0x27: {  	p1 =	slt.u32 s23, $0x27B;
	s30 =	smul.u32 $0xCCCD, s22  }
.Ltmp0:
0x28: {  	s24 =	sshrl.u32 s24, $0x12;
	(pc) =	sbr.rel @p1 .LBB2_2-.Ltmp0, $4  }
0x29: {  	s22 =	smov.u32 s26;
	s24 =	smul.u32 $0x140, s24;
	s28 =	sshrl.u32 s28, $0x12  }
0x2a: {  	s26 =	smul.u32 $0x140, s28;
	s28 =	sshrl.u32 s29, $0x12  }
0x2b: {  	s30 =	sshrl.u32 s30, $0x12;
	s29 =	sshrl.u32 s24, $0x2;
	s24 =	smul.u32 $0x140, s28  }
0x2c: {  	s28 =	sshrl.u32 s25, $0x12;
	s25 =	smul.u32 $0x140, s30;
	s26 =	sshrl.u32 s26, $0x2;
	[tilespmem:s29+$0x4F10] =	vst v0  }
0x2d: {  	s23 =	sadd.s32 $0x6, s22  }
0x2e: {  	s28 =	smul.u32 $0x140, s28;
	s29 =	sadd.s32 $0x7, s22;
	s23 =	sand.u32 $0xFFFF, s23  }
0x2f: {  	s30 =	sadd.s32 $0x8, s22;
	s29 =	sand.u32 $0xFFFF, s29;
	s23 =	smul.u32 $0xCCCD, s23  }
0x30: {  	s31 =	sadd.s32 $0x9, s22;
	s30 =	sand.u32 $0xFFFF, s30;
	s29 =	smul.u32 $0xCCCD, s29  }
0x31: {  	s22 =	sand.u32 $0xFFFF, s31;
	s30 =	smul.u32 $0xCCCD, s30  }
0x32: {  	[tilespmem:s26+$0x4F20] =	vst v0;
	s24 =	sshrl.u32 s24, $0x2;
	s22 =	smul.u32 $0xCCCD, s22;
	s23 =	sshrl.u32 s23, $0x12  }
0x33: {  	[tilespmem:s24+$0x4F30] =	vst v0;
	s25 =	sshrl.u32 s25, $0x2;
	s26 =	sshrl.u32 s29, $0x12;
	s23 =	smul.u32 $0x140, s23  }
0x34: {  	s28 =	sshrl.u32 s28, $0x2;
	[tilespmem:s25+$0x4F40] =	vst v0;
	s31 =	sshrl.u32 s30, $0x12;
	s29 =	smul.u32 $0x140, s26  }
0x35: {  	[tilespmem:s28+$0x4F00] =	vst v0;
	s22 =	sshrl.u32 s22, $0x12;
	s25 =	smul.u32 $0x140, s31;
	s23 =	sshrl.u32 s23, $0x2  }
0x36: {  	s22 =	smul.u32 $0x140, s22;
	s28 =	sshrl.u32 s29, $0x2;
	[tilespmem:s23+$0x4F10] =	vst v0  }
0x37: {  	s29 =	sshrl.u32 s25, $0x2;
	[tilespmem:s28+$0x4F20] =	vst v0  }
0x38: {  	s22 =	sshrl.u32 s22, $0x2;
	[tilespmem:s29+$0x4F30] =	vst v0  }
0x39: {  	[tilespmem:s22+$0x4F40] =	vst v0  }
0x3a: {  	[spmem:s5] =	stream.linear.scatter [tilespmem:s16], [sflag:$0x2], $0x2800, $0x38;
	[tilespmem:$0x13C80] =	vst v63  }
0x3b: {  	_ =	swait.ge [sflag:s17], $0x2800  }
0x3c: {  	[sflag:s17] =	ssyncset.done $0x0  }
0x3d: {  	[sflag:s17] =	ssyncadd.s32 $0xFFFFD800  }
0x3e: {  	[spmem:s6] =	stream.linear.scatter [tilespmem:s16], [sflag:$0x2], $0x2800, $0x38;
	[tilespmem:$0x13C80] =	vst v63  }
0x3f: {  	_ =	swait.ge [sflag:s17], $0x2800  }
0x40: {  	[sflag:s17] =	ssyncset.done $0x0  }
0x41: {  	[sflag:s17] =	ssyncadd.s32 $0xFFFFD800  }
0x42: {  	[spmem:s7] =	stream.linear.scatter [tilespmem:s16], [sflag:$0x2], $0x2800, $0x38;
	[tilespmem:$0x13C80] =	vst v63  }
0x43: {  	_ =	swait.ge [sflag:s17], $0x2800  }
0x44: {  	[sflag:s17] =	ssyncset.done $0x0  }
0x45: {  	[sflag:s17] =	ssyncadd.s32 $0xFFFFD800  }
0x46: {  	[spmem:s8] =	stream.linear.scatter [tilespmem:s16], [sflag:$0x2], $0x2800, $0x38;
	[tilespmem:$0x13C80] =	vst v63  }
0x47: {  	_ =	swait.ge [sflag:s17], $0x2800  }
0x48: {  	[sflag:s17] =	ssyncset.done $0x0  }
0x49: {  	[sflag:s17] =	ssyncadd.s32 $0xFFFFD800  }
0x4a: {  	[spmem:s9] =	stream.linear.scatter [tilespmem:s16], [sflag:$0x2], $0x2580, $0x38;
	[tilespmem:$0x13C80] =	vst v63  }
0x4b: {  	_ =	swait.ge [sflag:s17], $0x2580  }
0x4c: {  	[sflag:s17] =	ssyncset.done $0x0  }
0x4d: {  	[sflag:s17] =	ssyncadd.s32 $0xFFFFDA80  }
0x4e: {  	[tilespmem:s3], [sflag:$0x2] =	stream.linear.gather [hbm4b:s10+s3], $0x2700, $0x38;
	[tilespmem:$0x13C80] =	vst v63  }
0x4f: {  	_ =	swait.ge [sflag:s17], $0x2700  }
0x50: {  	[sflag:s17] =	ssyncset.done $0x0  }
0x51: {  	[sflag:s17] =	ssyncadd.s32 $0xFFFFD900  }
0x52: {  	[tilespmem:s18], [sflag:$0x2] =	stream.linear.gather [hbm4b:s11+s3], $0x2700, $0x38;
	[tilespmem:$0x13C80] =	vst v63  }
0x53: {  	_ =	swait.ge [sflag:s17], $0x2700  }
0x54: {  	[sflag:s17] =	ssyncset.done $0x0  }
0x55: {  	s23 =	simm.s32 @!p0 $0x2700;
	s22 =	simm.s32 @!p0 $0x0;
	[sflag:s17] =	ssyncadd.s32 $0xFFFFD900  }
0x56: {  	[tilespmem:s23], [sflag:$0x2] =	stream.linear.gather @!p0 [hbm4b:s12+s22], $0x80, $0x38;
	[tilespmem:$0x13C80] =	vst v63  }
0x57: {  	s23 =	simm.s32 @!p0 $0x2  }
0x58: {  	_ =	swait.ge @!p0 [sflag:s23], $0x80  }
0x59: {  	[sflag:s23] =	ssyncset.done @!p0 $0x0  }
0x5a: {  	s24 =	simm.s32 @!p0 $0x4E80;
	[sflag:s23] =	ssyncadd.s32 @!p0 $0xFFFFFF80  }
0x5b: {  	[tilespmem:s24], [sflag:$0x2] =	stream.linear.gather @!p0 [hbm4b:s13+s22], $0x80, $0x38;
	[tilespmem:$0x13C80] =	vst v63  }
0x5c: {  	_ =	swait.ge @!p0 [sflag:s23], $0x80  }
0x5d: {  	[sflag:s23] =	ssyncset.done @!p0 $0x0  }
0x5e: {  	[sflag:s23] =	ssyncadd.s32 @!p0 $0xFFFFFF80  }
0x5f: {  	s30 =	simm.s32 $0x0;
	[bflag:$0x0] =	sbarrier.arrive $0xFFFF  }
0x60: {  	[tilespmem:s16], [sflag:$0x1] =	stream.indirect.gather [hbm4b:s4+s19], $0x50, s30, s19, $0xb8;
	[tilespmem:$0x13C80] =	vst v63  }
0x61: {  	_ =	swait.ge [sflag:s20], $0x2800  }
0x62: {  	[sflag:s20] =	ssyncset.done $0x0  }
0x63: {  	s31 =	simm.s32 $0x2780;
	[sflag:s20] =	ssyncadd.s32 $0xFFFFD800  }
0x64: {  	[spmem:s2] =	stream.indirect.scatter.add.f32 [tilespmem:s16], [sflag:$0x2], $0x50, s31, s19, $0xb8;
	[tilespmem:$0x13C80] =	vst v63  }
0x65: {  	_ =	swait.ge [sflag:s17], $0x2800  }
0x66: {  	s22 =	simm.s32 $0x200;
	s23 =	simm.s32 $0x400;
	[sflag:s17] =	ssyncset.done $0x0  }
.LBB2_4:
0x67: {  	s24 =	sshra.s32 s22, $0x2  }
0x68: {  	[sflag:s17] =	ssyncadd.s32 $0xFFFFD800;
	s22 =	smov.u32 s23;
	s25 =	sadd.s32 $0x200, s23  }
0x69: {  	[tilespmem:s16], [sflag:$0x1] =	stream.indirect.gather [hbm4b:s4+s19], $0x50, s24, s19, $0xb8;
	[tilespmem:$0x13C80] =	vst v63  }
0x6a: {  	p1 =	sne.s32 s23, $0x9A00;
	_ =	swait.ge [sflag:s20], $0x2800  }
.Ltmp1:
0x6b: {  	[sflag:s20] =	ssyncset.done $0x0;
	(pc) =	sbr.rel @p1 .LBB2_4-.Ltmp1, $4  }
0x6c: {  	s23 =	sadd.s32 $0x2780, s24;
	[sflag:s20] =	ssyncadd.s32 $0xFFFFD800  }
0x6d: {  	[spmem:s2] =	stream.indirect.scatter.add.f32 [tilespmem:s16], [sflag:$0x2], $0x50, s23, s19, $0xb8;
	[tilespmem:$0x13C80] =	vst v63  }
0x6e: {  	_ =	swait.ge [sflag:s17], $0x2800  }
0x6f: {  	s23 =	smov.u32 s25;
	[sflag:s17] =	ssyncset.done $0x0  }
0x70: {  	s22 =	sshra.s32 s22, $0x2;
	[sflag:s17] =	ssyncadd.s32 $0xFFFFD800  }
0x71: {  	[tilespmem:s16], [sflag:$0x1] =	stream.indirect.gather [hbm4b:s4+s19], $0x50, s22, s19, $0xb8;
	[tilespmem:$0x13C80] =	vst v63  }
0x72: {  	_ =	swait.ge [sflag:s20], $0x2800  }
0x73: {  	[sflag:s20] =	ssyncset.done $0x0  }
0x74: {  	s22 =	sadd.s32 $0x2780, s22;
	[sflag:s20] =	ssyncadd.s32 $0xFFFFD800  }
0x75: {  	[spmem:s2] =	stream.indirect.scatter.add.f32 [tilespmem:s16], [sflag:$0x2], $0x50, s22, s19, $0xb8;
	[tilespmem:$0x13C80] =	vst v63  }
0x76: {  	_ =	swait.ge [sflag:s17], $0x2800  }
0x77: {  	s23 =	simm.s32 @!p0 $0x2700;
	[sflag:s17] =	ssyncset.done $0x0  }
0x78: {  	s24 =	simm.s32 @!p0 $0x4F00;
	s22 =	simm.s32 @!p0 $0x80;
	[sflag:s17] =	ssyncadd.s32 $0xFFFFD800  }
0x79: {  	[tilespmem:s24], [sflag:$0x1] =	stream.indirect.gather @!p0 [hbm4b:s4+s22], $0x50, s23, s22, $0xb8;
	[tilespmem:$0x13C80] =	vst v63  }
0x7a: {  	s23 =	simm.s32 @!p0 $0x1  }
0x7b: {  	_ =	swait.ge @!p0 [sflag:s23], $0x2800  }
0x7c: {  	[sflag:s23] =	ssyncset.done @!p0 $0x0  }
0x7d: {  	[sflag:s23] =	ssyncadd.s32 @!p0 $0xFFFFD800;
	s23 =	simm.s32 @!p0 $0x4E80  }
0x7e: {  	[spmem:s2] =	stream.indirect.scatter.add.f32 @!p0 [tilespmem:s24], [sflag:$0x2], $0x50, s23, s22, $0xb8;
	[tilespmem:$0x13C80] =	vst v63  }
0x7f: {  	s22 =	simm.s32 @!p0 $0x2  }
0x80: {  	_ =	swait.ge @!p0 [sflag:s22], $0x2800  }
0x81: {  	s30 =	sshll.u32 s1, $0x6;
	s21 =	sadd.s32 $0x1, s21;
	[sflag:s22] =	ssyncset.done @!p0 $0x0  }
0x82: {  	s31 =	sshrl.u32 s5, $0x3;
	p1 =	sne.s32 s21, s15;
	[sflag:s22] =	ssyncadd.s32 @!p0 $0xFFFFD800  }
.Ltmp2:
0x83: {  	s22 =	sor.u32 $0x1C02, s30;
	[bflag:$0x0] =	sbarrier.arrive $0xFFFF;
	(pc) =	sbr.rel @p1 .LBB2_1-.Ltmp2, $4  }
0x84: {  	[hbm:s14], [sflag:s22] =	dma.local [spmem:s31], $0x18B0  }
0x85: {  	_ =	swait.ge [sflag:s17], $0x18B0  }
0x86: {  	[sflag:s17] =	ssyncset.done $0x0  }
0x87: {  	[sflag:s17] =	ssyncadd.s32 $0xFFFFE750  }
0x88: {  	_ =	sfence.sel $0x180000  }
0x89: {  	[bflag:$0x0] =	sbarrier.arrive $0xFFFF  }
0x8a: {  	p0 =	sne.s32 s1, $0x0;
	_ =	strace $0x90000047  }
0x8b: {  	s0 =	sadd.s32 @!p0 $0x100000, s0;
	[bflag:$0x2] =	sbarrier.arrive $0xFFFF  }
0x8c: {  	[sflag:s0] =	ssyncadd.tile.s32 @!p0 $0x1;
	_ =	shalt  }
.Lfunc_end2:
_tile_overlayer_lowered:
.L_overlay_start_2:
0x8d: {  	(tag) =	ssettag $0x2  }
0x8e: {  	s0 =	rddreg [dreg:$0x0];
	s2 =	stileid.u32  }
0x8f: {  	s1 =	rddreg [dreg:$0x1];
	p0 =	sne.s32 s2, $0x0  }
0x90: {  	s3 =	rddreg [dreg:$0x2];
	[bflag:$0x3] =	sbarrier.arrive $0xFFFF;
	s2 =	simm.s32 @!p0 $0x1C02  }
0x91: {  	[timem:s3], [sflag:s2] =	dma.local @!p0 [hbm:s0], s1  }
0x92: {  	s0 =	simm.s32 @!p0 $0x2  }
0x93: {  	_ =	swait.ge @!p0 [sflag:s0], s1  }
0x94: {  	s1 =	ssub.s32 @!p0 $0x0, s1;
	[sflag:s0] =	ssyncset.done @!p0 $0x0  }
0x95: {  	[sflag:s0] =	ssyncadd.s32 @!p0 s1  }
0x96: {  	[bflag:$0x3] =	sbarrier.arrive $0xFFFF  }
0x97: {  	_ =	shalt  }

</sc_bundles>
